<compile_context>
chip_gen: v7x
topology: tpu7x:2x2x1
jax: 0.10.2.dev20260603
libtpu: 0.0.44.dev20260713+nightly
codegen_flags: <defaults>
</compile_context>

<pallas_src>
import functools

import jax
import jax.numpy as jnp
from jax import lax
from jax.experimental import pallas as pl
from jax.experimental.pallas import tpu as pltpu
from jax.experimental.pallas import tpu_sc as plsc

ROWS = 65536
C = 313
LANES = 16
NW = 32
SC_ROWS = 36864
RPW = SC_ROWS // NW
CHUNK_ROWS = 64
GROUPS = CHUNK_ROWS // LANES
NCHUNK = RPW // CHUNK_ROWS
NEG = -3.4e38


def _compute_chunk(ob, bb, acc):
    lanes = lax.iota(jnp.int32, LANES)
    rows = [lanes + jnp.int32(g * LANES) for g in range(GROUPS)]

    neg = jnp.full((LANES,), NEG, jnp.float32)
    init = (lanes, (neg,) * GROUPS, (neg,) * GROUPS, (neg,) * GROUPS)

    @plsc.parallel_loop(0, C, carry=init, unroll=4)
    def step(c, st):
        cols, bbest, obest, omax = st
        nb, no, nm = [], [], []
        for g in range(GROUPS):
            bv = plsc.load_gather(bb, [rows[g], cols])
            ov = plsc.load_gather(ob, [rows[g], cols])
            better = bv > bbest[g]
            nb.append(jnp.where(better, bv, bbest[g]))
            no.append(jnp.where(better, ov, obest[g]))
            nm.append(jnp.maximum(omax[g], ov))
        ncols = cols + 1
        ncols = jnp.where(ncols >= C, ncols - C, ncols)
        return (ncols, tuple(nb), tuple(no), tuple(nm))

    _, _, obest, omax = step
    for g in range(GROUPS):
        acc = acc + (1.0 - obest[g] / omax[g])
    return acc


@functools.partial(
    pl.kernel,
    out_type=jax.ShapeDtypeStruct((NW, LANES), jnp.float32),
    mesh=plsc.VectorSubcoreMesh(core_axis_name="c", subcore_axis_name="s"),
    compiler_params=pltpu.CompilerParams(needs_layout_passes=False),
    scratch_types=[
        pltpu.VMEM((CHUNK_ROWS, C), jnp.float32),
        pltpu.VMEM((CHUNK_ROWS, C), jnp.float32),
        pltpu.VMEM((CHUNK_ROWS, C), jnp.float32),
        pltpu.VMEM((CHUNK_ROWS, C), jnp.float32),
        pltpu.VMEM((LANES,), jnp.float32),
        pltpu.SemaphoreType.DMA,
        pltpu.SemaphoreType.DMA,
        pltpu.SemaphoreType.DMA,
        pltpu.SemaphoreType.DMA,
    ],
)
def _sc_loss(orig_hbm, boost_hbm, out_hbm,
             ob0, bb0, ob1, bb1, accbuf, so0, sb0, so1, sb1):
    wid = lax.axis_index("s") * 2 + lax.axis_index("c")
    wbase = wid * RPW

    def start(ob, bb, so, sb, g):
        row0 = wbase + g * CHUNK_ROWS
        pltpu.async_copy(orig_hbm.at[pl.ds(row0, CHUNK_ROWS), :], ob, so)
        pltpu.async_copy(boost_hbm.at[pl.ds(row0, CHUNK_ROWS), :], bb, sb)

    def wait(ob, bb, so, sb, g):
        row0 = wbase + g * CHUNK_ROWS
        pltpu.make_async_copy(
            orig_hbm.at[pl.ds(row0, CHUNK_ROWS), :], ob, so).wait()
        pltpu.make_async_copy(
            boost_hbm.at[pl.ds(row0, CHUNK_ROWS), :], bb, sb).wait()

    start(ob0, bb0, so0, sb0, 0)

    def outer(i, acc):
        g0 = 2 * i
        wait(ob0, bb0, so0, sb0, g0)
        start(ob1, bb1, so1, sb1, g0 + 1)
        acc = _compute_chunk(ob0, bb0, acc)
        wait(ob1, bb1, so1, sb1, g0 + 1)

        @pl.when(i < NCHUNK // 2 - 1)
        def _():
            start(ob0, bb0, so0, sb0, g0 + 2)

        return _compute_chunk(ob1, bb1, acc)

    acc = lax.fori_loop(0, NCHUNK // 2, outer, jnp.zeros((LANES,), jnp.float32))
    accbuf[...] = acc
    pltpu.sync_copy(accbuf, out_hbm.at[wid])


TC_BLOCK = 1024
TC_START = SC_ROWS
TC_GRID = (ROWS - TC_START) // TC_BLOCK


def _tc_body(orig_ref, boost_ref, out_ref):
    b = boost_ref[...]
    o = orig_ref[...]
    m = jnp.max(b, axis=1, keepdims=True)
    lookup = jnp.max(jnp.where(b == m, o, NEG), axis=1)
    omax = jnp.max(o, axis=1)
    out_ref[...] = jnp.sum(1.0 - lookup / omax).reshape(1, 1, 1)


_tc_loss = pl.pallas_call(
    _tc_body,
    grid=(TC_GRID,),
    in_specs=[
        pl.BlockSpec((TC_BLOCK, C), lambda i: (i + TC_START // TC_BLOCK, 0)),
        pl.BlockSpec((TC_BLOCK, C), lambda i: (i + TC_START // TC_BLOCK, 0)),
    ],
    out_specs=pl.BlockSpec((1, 1, 1), lambda i: (i, 0, 0)),
    out_shape=jax.ShapeDtypeStruct((TC_GRID, 1, 1), jnp.float32),
)


def kernel(original, boosted):
    orig = original.reshape(ROWS, C)
    boost = boosted.reshape(ROWS, C)
    partials_sc = _sc_loss(orig, boost)
    partials_tc = _tc_loss(orig, boost)
    return jnp.sum(partials_sc) + jnp.sum(partials_tc)

# --- scband reference (transcript-rebuilt; emitter-appended) ---
"""Pipeline reference for scband-color-regularizer-33964601377228 (READ-ONLY COPY).

The authoritative reference and input builder live on the scoring server;
editing this copy changes nothing except your own understanding.
"""

import jax, jax.numpy as jnp
import numpy as np


def setup_inputs(seed: int = 0) -> dict:
    key = jax.random.key(seed)
    k1, k2 = jax.random.split(key)
    original = jax.random.uniform(k1, (16, 64, 64, 313), dtype=jnp.float32)
    boosted = jax.random.uniform(k2, (16, 64, 64, 313), dtype=jnp.float32)
    return {"original": original, "boosted": boosted}


def reference(original, boosted):
    C = original.shape[-1]
    orig = original.reshape(-1, C)
    boost = boosted.reshape(-1, C)
    # argmax of boosted distribution per row
    argmax_indices = jnp.argmax(boost, axis=-1)
    # gather original values at boosted argmax positions (gather_nd equivalent)
    original_lookup = jnp.take_along_axis(orig, argmax_indices[:, None], axis=1)[:, 0]
    # max of original distribution per row
    original_max = jnp.max(orig, axis=-1)
    loss = jnp.sum(1.0 - original_lookup / original_max)
    return loss

if __name__ == "__main__":
    import jax
    _d = setup_inputs()
    print(jax.jit(kernel)(*tuple(_d.values())))

</pallas_src>

<mosaic_0001>
#map = affine_map<(d0, d1) -> (0, 0)>
module attributes {stable_mosaic.version = 14 : i64} {
  func.func @_sc_loss(%arg0: i32, %arg1: i32, %arg2: memref<65536x313xf32, #tpu.memory_space<hbm>>, %arg3: memref<65536x313xf32, #tpu.memory_space<hbm>>, %arg4: memref<32x16xf32, #tpu.memory_space<hbm>>, %arg5: memref<64x313xf32, #tpu.memory_space<vmem>>, %arg6: memref<64x313xf32, #tpu.memory_space<vmem>>, %arg7: memref<64x313xf32, #tpu.memory_space<vmem>>, %arg8: memref<64x313xf32, #tpu.memory_space<vmem>>, %arg9: memref<16xf32, #tpu.memory_space<vmem>>, %arg10: memref<!tpu.dma_semaphore, #tpu.memory_space<semaphore_mem>>, %arg11: memref<!tpu.dma_semaphore, #tpu.memory_space<semaphore_mem>>, %arg12: memref<!tpu.dma_semaphore, #tpu.memory_space<semaphore_mem>>, %arg13: memref<!tpu.dma_semaphore, #tpu.memory_space<semaphore_mem>>) attributes {dimension_semantics = [#tpu.dimension_semantics<core_parallel>, #tpu.dimension_semantics<subcore_parallel>], iteration_bounds = array<i64: 2, 16>, scalar_prefetch = 0 : i64, scratch_operands = 9 : i64, tpu.core_type = #tpu.core_type<sc_vector_subcore>, window_params = [{transform_indices = #map}, {transform_indices = #map}, {transform_indices = #map}]} {
    %mul3A = arith.constant 2 : i32
    %mul3A_0 = arith.muli %arg1, %mul3A : i32
    %add3A = arith.addi %mul3A_0, %arg0 : i32
    %mul3A_1 = arith.constant 1152 : i32
    %mul3A_2 = arith.muli %add3A, %mul3A_1 : i32
    %add3A_3 = arith.constant 0 : i32
    %add3A_4 = arith.addi %mul3A_2, %add3A_3 : i32
    %dma_start3A = arith.constant 0 : i32
    %dma_start3A_5 = tpu.memref_slice %arg2[%add3A_4, %dma_start3A] : memref<65536x313xf32, #tpu.memory_space<hbm>> -> memref<64x313xf32, #tpu.memory_space<hbm>>
    %dma_start3A_6 = arith.constant 0 : i32
    %dma_start3A_7 = tpu.memref_slice %arg2[%add3A_4, %dma_start3A_6] : memref<65536x313xf32, #tpu.memory_space<hbm>> -> memref<64x313xf32, #tpu.memory_space<hbm>>
    tpu.enqueue_dma source(%dma_start3A_7 : memref<64x313xf32, #tpu.memory_space<hbm>>) target(%arg5 : memref<64x313xf32, #tpu.memory_space<vmem>>) target_semaphore(%arg10 : memref<!tpu.dma_semaphore, #tpu.memory_space<semaphore_mem>>)
    %dma_start3A_8 = arith.constant 0 : i32
    %dma_start3A_9 = tpu.memref_slice %arg3[%add3A_4, %dma_start3A_8] : memref<65536x313xf32, #tpu.memory_space<hbm>> -> memref<64x313xf32, #tpu.memory_space<hbm>>
    %dma_start3A_10 = arith.constant 0 : i32
    %dma_start3A_11 = tpu.memref_slice %arg3[%add3A_4, %dma_start3A_10] : memref<65536x313xf32, #tpu.memory_space<hbm>> -> memref<64x313xf32, #tpu.memory_space<hbm>>
    tpu.enqueue_dma source(%dma_start3A_11 : memref<64x313xf32, #tpu.memory_space<hbm>>) target(%arg6 : memref<64x313xf32, #tpu.memory_space<vmem>>) target_semaphore(%arg11 : memref<!tpu.dma_semaphore, #tpu.memory_space<semaphore_mem>>)
    %broadcast_in_dim3A = arith.constant 0.000000e+00 : f32
    %broadcast_in_dim3A_12 = vector.broadcast %broadcast_in_dim3A : f32 to vector<16xf32>
    %scan3A = arith.constant 0 : i32
    %scan3A_13 = arith.constant 9 : i32
    %scan3A_14 = arith.addi %scan3A, %scan3A_13 : i32
    %scan3A_15 = arith.constant 1 : i32
    %scan3A_16 = scf.for %scan3A_19 = %scan3A to %scan3A_14 step %scan3A_15 iter_args(%scan3A_20 = %broadcast_in_dim3A_12) -> (vector<16xf32>)  : i32 {
      %mul3A_21 = arith.constant 2 : i32
      %mul3A_22 = arith.muli %mul3A_21, %scan3A_19 : i32
      %mul3A_23 = arith.constant 64 : i32
      %mul3A_24 = arith.muli %mul3A_22, %mul3A_23 : i32
      %add3A_25 = arith.addi %mul3A_2, %mul3A_24 : i32
      %dma_wait3A = arith.constant 0 : i32
      %dma_wait3A_26 = tpu.memref_slice %arg2[%add3A_25, %dma_wait3A] : memref<65536x313xf32, #tpu.memory_space<hbm>> -> memref<64x313xf32, #tpu.memory_space<hbm>>
      %dma_wait3A_27 = arith.constant 0 : i32
      %dma_wait3A_28 = tpu.memref_slice %arg2[%add3A_25, %dma_wait3A_27] : memref<65536x313xf32, #tpu.memory_space<hbm>> -> memref<64x313xf32, #tpu.memory_space<hbm>>
      tpu.wait_dma2 semaphore(%arg10 : memref<!tpu.dma_semaphore, #tpu.memory_space<semaphore_mem>>) src(%dma_wait3A_28 : memref<64x313xf32, #tpu.memory_space<hbm>>) dst(%arg5 : memref<64x313xf32, #tpu.memory_space<vmem>>)
      %dma_wait3A_29 = arith.constant 0 : i32
      %dma_wait3A_30 = tpu.memref_slice %arg3[%add3A_25, %dma_wait3A_29] : memref<65536x313xf32, #tpu.memory_space<hbm>> -> memref<64x313xf32, #tpu.memory_space<hbm>>
      %dma_wait3A_31 = arith.constant 0 : i32
      %dma_wait3A_32 = tpu.memref_slice %arg3[%add3A_25, %dma_wait3A_31] : memref<65536x313xf32, #tpu.memory_space<hbm>> -> memref<64x313xf32, #tpu.memory_space<hbm>>
      tpu.wait_dma2 semaphore(%arg11 : memref<!tpu.dma_semaphore, #tpu.memory_space<semaphore_mem>>) src(%dma_wait3A_32 : memref<64x313xf32, #tpu.memory_space<hbm>>) dst(%arg6 : memref<64x313xf32, #tpu.memory_space<vmem>>)
      %add3A_33 = arith.constant 1 : i32
      %add3A_34 = arith.addi %mul3A_22, %add3A_33 : i32
      %mul3A_35 = arith.constant 64 : i32
      %mul3A_36 = arith.muli %add3A_34, %mul3A_35 : i32
      %add3A_37 = arith.addi %mul3A_2, %mul3A_36 : i32
      %dma_start3A_38 = arith.constant 0 : i32
      %dma_start3A_39 = tpu.memref_slice %arg2[%add3A_37, %dma_start3A_38] : memref<65536x313xf32, #tpu.memory_space<hbm>> -> memref<64x313xf32, #tpu.memory_space<hbm>>
      %dma_start3A_40 = arith.constant 0 : i32
      %dma_start3A_41 = tpu.memref_slice %arg2[%add3A_37, %dma_start3A_40] : memref<65536x313xf32, #tpu.memory_space<hbm>> -> memref<64x313xf32, #tpu.memory_space<hbm>>
      tpu.enqueue_dma source(%dma_start3A_41 : memref<64x313xf32, #tpu.memory_space<hbm>>) target(%arg7 : memref<64x313xf32, #tpu.memory_space<vmem>>) target_semaphore(%arg12 : memref<!tpu.dma_semaphore, #tpu.memory_space<semaphore_mem>>)
      %dma_start3A_42 = arith.constant 0 : i32
      %dma_start3A_43 = tpu.memref_slice %arg3[%add3A_37, %dma_start3A_42] : memref<65536x313xf32, #tpu.memory_space<hbm>> -> memref<64x313xf32, #tpu.memory_space<hbm>>
      %dma_start3A_44 = arith.constant 0 : i32
      %dma_start3A_45 = tpu.memref_slice %arg3[%add3A_37, %dma_start3A_44] : memref<65536x313xf32, #tpu.memory_space<hbm>> -> memref<64x313xf32, #tpu.memory_space<hbm>>
      tpu.enqueue_dma source(%dma_start3A_45 : memref<64x313xf32, #tpu.memory_space<hbm>>) target(%arg8 : memref<64x313xf32, #tpu.memory_space<vmem>>) target_semaphore(%arg13 : memref<!tpu.dma_semaphore, #tpu.memory_space<semaphore_mem>>)
      %iota3A = tpu.iota {dimensions = array<i32: 0>} : vector<16xi32>
      %add3A_46 = arith.constant 0 : i32
      %add3A_47 = vector.broadcast %add3A_46 : i32 to vector<16xi32>
      %add3A_48 = arith.addi %iota3A, %add3A_47 : vector<16xi32>
      %add3A_49 = arith.constant 16 : i32
      %add3A_50 = vector.broadcast %add3A_49 : i32 to vector<16xi32>
      %add3A_51 = arith.addi %iota3A, %add3A_50 : vector<16xi32>
      %add3A_52 = arith.constant 32 : i32
      %add3A_53 = vector.broadcast %add3A_52 : i32 to vector<16xi32>
      %add3A_54 = arith.addi %iota3A, %add3A_53 : vector<16xi32>
      %add3A_55 = arith.constant 48 : i32
      %add3A_56 = vector.broadcast %add3A_55 : i32 to vector<16xi32>
      %add3A_57 = arith.addi %iota3A, %add3A_56 : vector<16xi32>
      %broadcast_in_dim3A_58 = arith.constant -3.400000e+38 : f32
      %broadcast_in_dim3A_59 = vector.broadcast %broadcast_in_dim3A_58 : f32 to vector<16xf32>
      %parallel_loop3A = arith.constant 0 : i32
      %parallel_loop3A_60 = arith.constant 313 : i32
      %parallel_loop3A_61 = arith.constant 1 : i32
      %parallel_loop3A_62:13 = scf.for %parallel_loop3A_135 = %parallel_loop3A to %parallel_loop3A_60 step %parallel_loop3A_61 iter_args(%parallel_loop3A_136 = %iota3A, %parallel_loop3A_137 = %broadcast_in_dim3A_59, %parallel_loop3A_138 = %broadcast_in_dim3A_59, %parallel_loop3A_139 = %broadcast_in_dim3A_59, %parallel_loop3A_140 = %broadcast_in_dim3A_59, %parallel_loop3A_141 = %broadcast_in_dim3A_59, %parallel_loop3A_142 = %broadcast_in_dim3A_59, %parallel_loop3A_143 = %broadcast_in_dim3A_59, %parallel_loop3A_144 = %broadcast_in_dim3A_59, %parallel_loop3A_145 = %broadcast_in_dim3A_59, %parallel_loop3A_146 = %broadcast_in_dim3A_59, %parallel_loop3A_147 = %broadcast_in_dim3A_59, %parallel_loop3A_148 = %broadcast_in_dim3A_59) -> (vector<16xi32>, vector<16xf32>, vector<16xf32>, vector<16xf32>, vector<16xf32>, vector<16xf32>, vector<16xf32>, vector<16xf32>, vector<16xf32>, vector<16xf32>, vector<16xf32>, vector<16xf32>, vector<16xf32>)  : i32 {
        %parallel_loop3A_149 = tpu.vector_load_idx %arg6[%add3A_48, %parallel_loop3A_136] : memref<64x313xf32, #tpu.memory_space<vmem>>[vector<16xi32>, vector<16xi32>], vector<16xf32>,
        %parallel_loop3A_150 = tpu.vector_load_idx %arg5[%add3A_48, %parallel_loop3A_136] : memref<64x313xf32, #tpu.memory_space<vmem>>[vector<16xi32>, vector<16xi32>], vector<16xf32>,
        %parallel_loop3A_151 = arith.cmpf ogt, %parallel_loop3A_149, %parallel_loop3A_137 : vector<16xf32>
        %parallel_loop3A_152 = arith.select %parallel_loop3A_151, %parallel_loop3A_149, %parallel_loop3A_137 : vector<16xi1>, vector<16xf32>
        %parallel_loop3A_153 = arith.select %parallel_loop3A_151, %parallel_loop3A_150, %parallel_loop3A_141 : vector<16xi1>, vector<16xf32>
        %parallel_loop3A_154 = arith.maximumf %parallel_loop3A_145, %parallel_loop3A_150 : vector<16xf32>
        %parallel_loop3A_155 = tpu.vector_load_idx %arg6[%add3A_51, %parallel_loop3A_136] : memref<64x313xf32, #tpu.memory_space<vmem>>[vector<16xi32>, vector<16xi32>], vector<16xf32>,
        %parallel_loop3A_156 = tpu.vector_load_idx %arg5[%add3A_51, %parallel_loop3A_136] : memref<64x313xf32, #tpu.memory_space<vmem>>[vector<16xi32>, vector<16xi32>], vector<16xf32>,
        %parallel_loop3A_157 = arith.cmpf ogt, %parallel_loop3A_155, %parallel_loop3A_138 : vector<16xf32>
        %parallel_loop3A_158 = arith.select %parallel_loop3A_157, %parallel_loop3A_155, %parallel_loop3A_138 : vector<16xi1>, vector<16xf32>
        %parallel_loop3A_159 = arith.select %parallel_loop3A_157, %parallel_loop3A_156, %parallel_loop3A_142 : vector<16xi1>, vector<16xf32>
        %parallel_loop3A_160 = arith.maximumf %parallel_loop3A_146, %parallel_loop3A_156 : vector<16xf32>
        %parallel_loop3A_161 = tpu.vector_load_idx %arg6[%add3A_54, %parallel_loop3A_136] : memref<64x313xf32, #tpu.memory_space<vmem>>[vector<16xi32>, vector<16xi32>], vector<16xf32>,
        %parallel_loop3A_162 = tpu.vector_load_idx %arg5[%add3A_54, %parallel_loop3A_136] : memref<64x313xf32, #tpu.memory_space<vmem>>[vector<16xi32>, vector<16xi32>], vector<16xf32>,
        %parallel_loop3A_163 = arith.cmpf ogt, %parallel_loop3A_161, %parallel_loop3A_139 : vector<16xf32>
        %parallel_loop3A_164 = arith.select %parallel_loop3A_163, %parallel_loop3A_161, %parallel_loop3A_139 : vector<16xi1>, vector<16xf32>
        %parallel_loop3A_165 = arith.select %parallel_loop3A_163, %parallel_loop3A_162, %parallel_loop3A_143 : vector<16xi1>, vector<16xf32>
        %parallel_loop3A_166 = arith.maximumf %parallel_loop3A_147, %parallel_loop3A_162 : vector<16xf32>
        %parallel_loop3A_167 = tpu.vector_load_idx %arg6[%add3A_57, %parallel_loop3A_136] : memref<64x313xf32, #tpu.memory_space<vmem>>[vector<16xi32>, vector<16xi32>], vector<16xf32>,
        %parallel_loop3A_168 = tpu.vector_load_idx %arg5[%add3A_57, %parallel_loop3A_136] : memref<64x313xf32, #tpu.memory_space<vmem>>[vector<16xi32>, vector<16xi32>], vector<16xf32>,
        %parallel_loop3A_169 = arith.cmpf ogt, %parallel_loop3A_167, %parallel_loop3A_140 : vector<16xf32>
        %parallel_loop3A_170 = arith.select %parallel_loop3A_169, %parallel_loop3A_167, %parallel_loop3A_140 : vector<16xi1>, vector<16xf32>
        %parallel_loop3A_171 = arith.select %parallel_loop3A_169, %parallel_loop3A_168, %parallel_loop3A_144 : vector<16xi1>, vector<16xf32>
        %parallel_loop3A_172 = arith.maximumf %parallel_loop3A_148, %parallel_loop3A_168 : vector<16xf32>
        %parallel_loop3A_173 = arith.constant 1 : i32
        %parallel_loop3A_174 = vector.broadcast %parallel_loop3A_173 : i32 to vector<16xi32>
        %parallel_loop3A_175 = arith.addi %parallel_loop3A_136, %parallel_loop3A_174 : vector<16xi32>
        %parallel_loop3A_176 = arith.constant 313 : i32
        %parallel_loop3A_177 = vector.broadcast %parallel_loop3A_176 : i32 to vector<16xi32>
        %parallel_loop3A_178 = arith.cmpi sge, %parallel_loop3A_175, %parallel_loop3A_177 : vector<16xi32>
        %parallel_loop3A_179 = arith.constant 313 : i32
        %parallel_loop3A_180 = vector.broadcast %parallel_loop3A_179 : i32 to vector<16xi32>
        %parallel_loop3A_181 = arith.subi %parallel_loop3A_175, %parallel_loop3A_180 : vector<16xi32>
        %parallel_loop3A_182 = arith.select %parallel_loop3A_178, %parallel_loop3A_181, %parallel_loop3A_175 : vector<16xi1>, vector<16xi32>
        scf.yield %parallel_loop3A_182, %parallel_loop3A_152, %parallel_loop3A_158, %parallel_loop3A_164, %parallel_loop3A_170, %parallel_loop3A_153, %parallel_loop3A_159, %parallel_loop3A_165, %parallel_loop3A_171, %parallel_loop3A_154, %parallel_loop3A_160, %parallel_loop3A_166, %parallel_loop3A_172 : vector<16xi32>, vector<16xf32>, vector<16xf32>, vector<16xf32>, vector<16xf32>, vector<16xf32>, vector<16xf32>, vector<16xf32>, vector<16xf32>, vector<16xf32>, vector<16xf32>, vector<16xf32>, vector<16xf32>
      } {sc.loop_unroll_factor = 4 : i64, sc.parallel_access}
      %div3A = arith.divf %parallel_loop3A_62#5, %parallel_loop3A_62#9 : vector<16xf32>
      %sub3A = arith.constant 1.000000e+00 : f32
      %sub3A_63 = vector.broadcast %sub3A : f32 to vector<16xf32>
      %sub3A_64 = arith.subf %sub3A_63, %div3A : vector<16xf32>
      %add3A_65 = arith.addf %scan3A_20, %sub3A_64 : vector<16xf32>
      %div3A_66 = arith.divf %parallel_loop3A_62#6, %parallel_loop3A_62#10 : vector<16xf32>
      %sub3A_67 = arith.constant 1.000000e+00 : f32
      %sub3A_68 = vector.broadcast %sub3A_67 : f32 to vector<16xf32>
      %sub3A_69 = arith.subf %sub3A_68, %div3A_66 : vector<16xf32>
      %add3A_70 = arith.addf %add3A_65, %sub3A_69 : vector<16xf32>
      %div3A_71 = arith.divf %parallel_loop3A_62#7, %parallel_loop3A_62#11 : vector<16xf32>
      %sub3A_72 = arith.constant 1.000000e+00 : f32
      %sub3A_73 = vector.broadcast %sub3A_72 : f32 to vector<16xf32>
      %sub3A_74 = arith.subf %sub3A_73, %div3A_71 : vector<16xf32>
      %add3A_75 = arith.addf %add3A_70, %sub3A_74 : vector<16xf32>
      %div3A_76 = arith.divf %parallel_loop3A_62#8, %parallel_loop3A_62#12 : vector<16xf32>
      %sub3A_77 = arith.constant 1.000000e+00 : f32
      %sub3A_78 = vector.broadcast %sub3A_77 : f32 to vector<16xf32>
      %sub3A_79 = arith.subf %sub3A_78, %div3A_76 : vector<16xf32>
      %add3A_80 = arith.addf %add3A_75, %sub3A_79 : vector<16xf32>
      %add3A_81 = arith.constant 1 : i32
      %add3A_82 = arith.addi %mul3A_22, %add3A_81 : i32
      %mul3A_83 = arith.constant 64 : i32
      %mul3A_84 = arith.muli %add3A_82, %mul3A_83 : i32
      %add3A_85 = arith.addi %mul3A_2, %mul3A_84 : i32
      %dma_wait3A_86 = arith.constant 0 : i32
      %dma_wait3A_87 = tpu.memref_slice %arg2[%add3A_85, %dma_wait3A_86] : memref<65536x313xf32, #tpu.memory_space<hbm>> -> memref<64x313xf32, #tpu.memory_space<hbm>>
      %dma_wait3A_88 = arith.constant 0 : i32
      %dma_wait3A_89 = tpu.memref_slice %arg2[%add3A_85, %dma_wait3A_88] : memref<65536x313xf32, #tpu.memory_space<hbm>> -> memref<64x313xf32, #tpu.memory_space<hbm>>
      tpu.wait_dma2 semaphore(%arg12 : memref<!tpu.dma_semaphore, #tpu.memory_space<semaphore_mem>>) src(%dma_wait3A_89 : memref<64x313xf32, #tpu.memory_space<hbm>>) dst(%arg7 : memref<64x313xf32, #tpu.memory_space<vmem>>)
      %dma_wait3A_90 = arith.constant 0 : i32
      %dma_wait3A_91 = tpu.memref_slice %arg3[%add3A_85, %dma_wait3A_90] : memref<65536x313xf32, #tpu.memory_space<hbm>> -> memref<64x313xf32, #tpu.memory_space<hbm>>
      %dma_wait3A_92 = arith.constant 0 : i32
      %dma_wait3A_93 = tpu.memref_slice %arg3[%add3A_85, %dma_wait3A_92] : memref<65536x313xf32, #tpu.memory_space<hbm>> -> memref<64x313xf32, #tpu.memory_space<hbm>>
      tpu.wait_dma2 semaphore(%arg13 : memref<!tpu.dma_semaphore, #tpu.memory_space<semaphore_mem>>) src(%dma_wait3A_93 : memref<64x313xf32, #tpu.memory_space<hbm>>) dst(%arg8 : memref<64x313xf32, #tpu.memory_space<vmem>>)
      %lt3A = arith.constant 8 : i32
      %lt3A_94 = arith.cmpi slt, %scan3A_19, %lt3A : i32
      %convert_element_type3A = arith.extui %lt3A_94 : i1 to i32
      %cond3A = arith.constant 0 : i32
      %cond3A_95 = arith.cmpi ne, %convert_element_type3A, %cond3A : i32
      scf.if %cond3A_95 {
        %add3A_135 = arith.constant 2 : i32
        %add3A_136 = arith.addi %mul3A_22, %add3A_135 : i32
        %mul3A_137 = arith.constant 64 : i32
        %mul3A_138 = arith.muli %add3A_136, %mul3A_137 : i32
        %add3A_139 = arith.addi %mul3A_2, %mul3A_138 : i32
        %dma_start3A_140 = arith.constant 0 : i32
        %dma_start3A_141 = tpu.memref_slice %arg2[%add3A_139, %dma_start3A_140] : memref<65536x313xf32, #tpu.memory_space<hbm>> -> memref<64x313xf32, #tpu.memory_space<hbm>>
        %dma_start3A_142 = arith.constant 0 : i32
        %dma_start3A_143 = tpu.memref_slice %arg2[%add3A_139, %dma_start3A_142] : memref<65536x313xf32, #tpu.memory_space<hbm>> -> memref<64x313xf32, #tpu.memory_space<hbm>>
        tpu.enqueue_dma source(%dma_start3A_143 : memref<64x313xf32, #tpu.memory_space<hbm>>) target(%arg5 : memref<64x313xf32, #tpu.memory_space<vmem>>) target_semaphore(%arg10 : memref<!tpu.dma_semaphore, #tpu.memory_space<semaphore_mem>>)
        %dma_start3A_144 = arith.constant 0 : i32
        %dma_start3A_145 = tpu.memref_slice %arg3[%add3A_139, %dma_start3A_144] : memref<65536x313xf32, #tpu.memory_space<hbm>> -> memref<64x313xf32, #tpu.memory_space<hbm>>
        %dma_start3A_146 = arith.constant 0 : i32
        %dma_start3A_147 = tpu.memref_slice %arg3[%add3A_139, %dma_start3A_146] : memref<65536x313xf32, #tpu.memory_space<hbm>> -> memref<64x313xf32, #tpu.memory_space<hbm>>
        tpu.enqueue_dma source(%dma_start3A_147 : memref<64x313xf32, #tpu.memory_space<hbm>>) target(%arg6 : memref<64x313xf32, #tpu.memory_space<vmem>>) target_semaphore(%arg11 : memref<!tpu.dma_semaphore, #tpu.memory_space<semaphore_mem>>)
      } else {
      }
      %iota3A_96 = tpu.iota {dimensions = array<i32: 0>} : vector<16xi32>
      %add3A_97 = arith.constant 0 : i32
      %add3A_98 = vector.broadcast %add3A_97 : i32 to vector<16xi32>
      %add3A_99 = arith.addi %iota3A_96, %add3A_98 : vector<16xi32>
      %add3A_100 = arith.constant 16 : i32
      %add3A_101 = vector.broadcast %add3A_100 : i32 to vector<16xi32>
      %add3A_102 = arith.addi %iota3A_96, %add3A_101 : vector<16xi32>
      %add3A_103 = arith.constant 32 : i32
      %add3A_104 = vector.broadcast %add3A_103 : i32 to vector<16xi32>
      %add3A_105 = arith.addi %iota3A_96, %add3A_104 : vector<16xi32>
      %add3A_106 = arith.constant 48 : i32
      %add3A_107 = vector.broadcast %add3A_106 : i32 to vector<16xi32>
      %add3A_108 = arith.addi %iota3A_96, %add3A_107 : vector<16xi32>
      %broadcast_in_dim3A_109 = arith.constant -3.400000e+38 : f32
      %broadcast_in_dim3A_110 = vector.broadcast %broadcast_in_dim3A_109 : f32 to vector<16xf32>
      %parallel_loop3A_111 = arith.constant 0 : i32
      %parallel_loop3A_112 = arith.constant 313 : i32
      %parallel_loop3A_113 = arith.constant 1 : i32
      %parallel_loop3A_114:13 = scf.for %parallel_loop3A_135 = %parallel_loop3A_111 to %parallel_loop3A_112 step %parallel_loop3A_113 iter_args(%parallel_loop3A_136 = %iota3A_96, %parallel_loop3A_137 = %broadcast_in_dim3A_110, %parallel_loop3A_138 = %broadcast_in_dim3A_110, %parallel_loop3A_139 = %broadcast_in_dim3A_110, %parallel_loop3A_140 = %broadcast_in_dim3A_110, %parallel_loop3A_141 = %broadcast_in_dim3A_110, %parallel_loop3A_142 = %broadcast_in_dim3A_110, %parallel_loop3A_143 = %broadcast_in_dim3A_110, %parallel_loop3A_144 = %broadcast_in_dim3A_110, %parallel_loop3A_145 = %broadcast_in_dim3A_110, %parallel_loop3A_146 = %broadcast_in_dim3A_110, %parallel_loop3A_147 = %broadcast_in_dim3A_110, %parallel_loop3A_148 = %broadcast_in_dim3A_110) -> (vector<16xi32>, vector<16xf32>, vector<16xf32>, vector<16xf32>, vector<16xf32>, vector<16xf32>, vector<16xf32>, vector<16xf32>, vector<16xf32>, vector<16xf32>, vector<16xf32>, vector<16xf32>, vector<16xf32>)  : i32 {
        %parallel_loop3A_149 = tpu.vector_load_idx %arg8[%add3A_99, %parallel_loop3A_136] : memref<64x313xf32, #tpu.memory_space<vmem>>[vector<16xi32>, vector<16xi32>], vector<16xf32>,
        %parallel_loop3A_150 = tpu.vector_load_idx %arg7[%add3A_99, %parallel_loop3A_136] : memref<64x313xf32, #tpu.memory_space<vmem>>[vector<16xi32>, vector<16xi32>], vector<16xf32>,
        %parallel_loop3A_151 = arith.cmpf ogt, %parallel_loop3A_149, %parallel_loop3A_137 : vector<16xf32>
        %parallel_loop3A_152 = arith.select %parallel_loop3A_151, %parallel_loop3A_149, %parallel_loop3A_137 : vector<16xi1>, vector<16xf32>
        %parallel_loop3A_153 = arith.select %parallel_loop3A_151, %parallel_loop3A_150, %parallel_loop3A_141 : vector<16xi1>, vector<16xf32>
        %parallel_loop3A_154 = arith.maximumf %parallel_loop3A_145, %parallel_loop3A_150 : vector<16xf32>
        %parallel_loop3A_155 = tpu.vector_load_idx %arg8[%add3A_102, %parallel_loop3A_136] : memref<64x313xf32, #tpu.memory_space<vmem>>[vector<16xi32>, vector<16xi32>], vector<16xf32>,
        %parallel_loop3A_156 = tpu.vector_load_idx %arg7[%add3A_102, %parallel_loop3A_136] : memref<64x313xf32, #tpu.memory_space<vmem>>[vector<16xi32>, vector<16xi32>], vector<16xf32>,
        %parallel_loop3A_157 = arith.cmpf ogt, %parallel_loop3A_155, %parallel_loop3A_138 : vector<16xf32>
        %parallel_loop3A_158 = arith.select %parallel_loop3A_157, %parallel_loop3A_155, %parallel_loop3A_138 : vector<16xi1>, vector<16xf32>
        %parallel_loop3A_159 = arith.select %parallel_loop3A_157, %parallel_loop3A_156, %parallel_loop3A_142 : vector<16xi1>, vector<16xf32>
        %parallel_loop3A_160 = arith.maximumf %parallel_loop3A_146, %parallel_loop3A_156 : vector<16xf32>
        %parallel_loop3A_161 = tpu.vector_load_idx %arg8[%add3A_105, %parallel_loop3A_136] : memref<64x313xf32, #tpu.memory_space<vmem>>[vector<16xi32>, vector<16xi32>], vector<16xf32>,
        %parallel_loop3A_162 = tpu.vector_load_idx %arg7[%add3A_105, %parallel_loop3A_136] : memref<64x313xf32, #tpu.memory_space<vmem>>[vector<16xi32>, vector<16xi32>], vector<16xf32>,
        %parallel_loop3A_163 = arith.cmpf ogt, %parallel_loop3A_161, %parallel_loop3A_139 : vector<16xf32>
        %parallel_loop3A_164 = arith.select %parallel_loop3A_163, %parallel_loop3A_161, %parallel_loop3A_139 : vector<16xi1>, vector<16xf32>
        %parallel_loop3A_165 = arith.select %parallel_loop3A_163, %parallel_loop3A_162, %parallel_loop3A_143 : vector<16xi1>, vector<16xf32>
        %parallel_loop3A_166 = arith.maximumf %parallel_loop3A_147, %parallel_loop3A_162 : vector<16xf32>
        %parallel_loop3A_167 = tpu.vector_load_idx %arg8[%add3A_108, %parallel_loop3A_136] : memref<64x313xf32, #tpu.memory_space<vmem>>[vector<16xi32>, vector<16xi32>], vector<16xf32>,
        %parallel_loop3A_168 = tpu.vector_load_idx %arg7[%add3A_108, %parallel_loop3A_136] : memref<64x313xf32, #tpu.memory_space<vmem>>[vector<16xi32>, vector<16xi32>], vector<16xf32>,
        %parallel_loop3A_169 = arith.cmpf ogt, %parallel_loop3A_167, %parallel_loop3A_140 : vector<16xf32>
        %parallel_loop3A_170 = arith.select %parallel_loop3A_169, %parallel_loop3A_167, %parallel_loop3A_140 : vector<16xi1>, vector<16xf32>
        %parallel_loop3A_171 = arith.select %parallel_loop3A_169, %parallel_loop3A_168, %parallel_loop3A_144 : vector<16xi1>, vector<16xf32>
        %parallel_loop3A_172 = arith.maximumf %parallel_loop3A_148, %parallel_loop3A_168 : vector<16xf32>
        %parallel_loop3A_173 = arith.constant 1 : i32
        %parallel_loop3A_174 = vector.broadcast %parallel_loop3A_173 : i32 to vector<16xi32>
        %parallel_loop3A_175 = arith.addi %parallel_loop3A_136, %parallel_loop3A_174 : vector<16xi32>
        %parallel_loop3A_176 = arith.constant 313 : i32
        %parallel_loop3A_177 = vector.broadcast %parallel_loop3A_176 : i32 to vector<16xi32>
        %parallel_loop3A_178 = arith.cmpi sge, %parallel_loop3A_175, %parallel_loop3A_177 : vector<16xi32>
        %parallel_loop3A_179 = arith.constant 313 : i32
        %parallel_loop3A_180 = vector.broadcast %parallel_loop3A_179 : i32 to vector<16xi32>
        %parallel_loop3A_181 = arith.subi %parallel_loop3A_175, %parallel_loop3A_180 : vector<16xi32>
        %parallel_loop3A_182 = arith.select %parallel_loop3A_178, %parallel_loop3A_181, %parallel_loop3A_175 : vector<16xi1>, vector<16xi32>
        scf.yield %parallel_loop3A_182, %parallel_loop3A_152, %parallel_loop3A_158, %parallel_loop3A_164, %parallel_loop3A_170, %parallel_loop3A_153, %parallel_loop3A_159, %parallel_loop3A_165, %parallel_loop3A_171, %parallel_loop3A_154, %parallel_loop3A_160, %parallel_loop3A_166, %parallel_loop3A_172 : vector<16xi32>, vector<16xf32>, vector<16xf32>, vector<16xf32>, vector<16xf32>, vector<16xf32>, vector<16xf32>, vector<16xf32>, vector<16xf32>, vector<16xf32>, vector<16xf32>, vector<16xf32>, vector<16xf32>
      } {sc.loop_unroll_factor = 4 : i64, sc.parallel_access}
      %div3A_115 = arith.divf %parallel_loop3A_114#5, %parallel_loop3A_114#9 : vector<16xf32>
      %sub3A_116 = arith.constant 1.000000e+00 : f32
      %sub3A_117 = vector.broadcast %sub3A_116 : f32 to vector<16xf32>
      %sub3A_118 = arith.subf %sub3A_117, %div3A_115 : vector<16xf32>
      %add3A_119 = arith.addf %add3A_80, %sub3A_118 : vector<16xf32>
      %div3A_120 = arith.divf %parallel_loop3A_114#6, %parallel_loop3A_114#10 : vector<16xf32>
      %sub3A_121 = arith.constant 1.000000e+00 : f32
      %sub3A_122 = vector.broadcast %sub3A_121 : f32 to vector<16xf32>
      %sub3A_123 = arith.subf %sub3A_122, %div3A_120 : vector<16xf32>
      %add3A_124 = arith.addf %add3A_119, %sub3A_123 : vector<16xf32>
      %div3A_125 = arith.divf %parallel_loop3A_114#7, %parallel_loop3A_114#11 : vector<16xf32>
      %sub3A_126 = arith.constant 1.000000e+00 : f32
      %sub3A_127 = vector.broadcast %sub3A_126 : f32 to vector<16xf32>
      %sub3A_128 = arith.subf %sub3A_127, %div3A_125 : vector<16xf32>
      %add3A_129 = arith.addf %add3A_124, %sub3A_128 : vector<16xf32>
      %div3A_130 = arith.divf %parallel_loop3A_114#8, %parallel_loop3A_114#12 : vector<16xf32>
      %sub3A_131 = arith.constant 1.000000e+00 : f32
      %sub3A_132 = vector.broadcast %sub3A_131 : f32 to vector<16xf32>
      %sub3A_133 = arith.subf %sub3A_132, %div3A_130 : vector<16xf32>
      %add3A_134 = arith.addf %add3A_129, %sub3A_133 : vector<16xf32>
      scf.yield %add3A_134 : vector<16xf32>
    }
    %scan3A_17 = arith.constant 9 : i32
    %swap3A = arith.constant 0 : index
    %swap3A_18 = tpu.vector_load %arg9[%swap3A] {strides = array<i32>} : memref<16xf32, #tpu.memory_space<vmem>>, vector<16xf32>,
    tpu.vector_store %arg9[%swap3A], %scan3A_16 {strides = array<i32>} : memref<16xf32, #tpu.memory_space<vmem>>, vector<16xf32>,
    "tpu.region"() ({
      %run_scoped3A = tpu.sem_alloc : memref<!tpu.dma_semaphore, #tpu.memory_space<semaphore_mem>>
      %dma_start3A_19 = arith.constant 0 : i32
      %dma_start3A_20 = tpu.memref_slice %arg4[%add3A, %dma_start3A_19] : memref<32x16xf32, #tpu.memory_space<hbm>> -> memref<1x16xf32, #tpu.memory_space<hbm>>
      %dma_start3A_21 = tpu.memref_squeeze %dma_start3A_20 : memref<1x16xf32, #tpu.memory_space<hbm>> -> memref<16xf32, #tpu.memory_space<hbm>>
      %dma_start3A_22 = arith.constant 0 : i32
      %dma_start3A_23 = tpu.memref_slice %arg4[%add3A, %dma_start3A_22] : memref<32x16xf32, #tpu.memory_space<hbm>> -> memref<1x16xf32, #tpu.memory_space<hbm>>
      %dma_start3A_24 = tpu.memref_squeeze %dma_start3A_23 : memref<1x16xf32, #tpu.memory_space<hbm>> -> memref<16xf32, #tpu.memory_space<hbm>>
      tpu.enqueue_dma source(%arg9 : memref<16xf32, #tpu.memory_space<vmem>>) target(%dma_start3A_24 : memref<16xf32, #tpu.memory_space<hbm>>) target_semaphore(%run_scoped3A : memref<!tpu.dma_semaphore, #tpu.memory_space<semaphore_mem>>)
      %dma_wait3A = arith.constant 0 : i32
      %dma_wait3A_25 = tpu.memref_slice %arg4[%add3A, %dma_wait3A] : memref<32x16xf32, #tpu.memory_space<hbm>> -> memref<1x16xf32, #tpu.memory_space<hbm>>
      %dma_wait3A_26 = tpu.memref_squeeze %dma_wait3A_25 : memref<1x16xf32, #tpu.memory_space<hbm>> -> memref<16xf32, #tpu.memory_space<hbm>>
      %dma_wait3A_27 = arith.constant 0 : i32
      %dma_wait3A_28 = tpu.memref_slice %arg4[%add3A, %dma_wait3A_27] : memref<32x16xf32, #tpu.memory_space<hbm>> -> memref<1x16xf32, #tpu.memory_space<hbm>>
      %dma_wait3A_29 = tpu.memref_squeeze %dma_wait3A_28 : memref<1x16xf32, #tpu.memory_space<hbm>> -> memref<16xf32, #tpu.memory_space<hbm>>
      tpu.wait_dma2 semaphore(%run_scoped3A : memref<!tpu.dma_semaphore, #tpu.memory_space<semaphore_mem>>) src(%arg9 : memref<16xf32, #tpu.memory_space<vmem>>) dst(%dma_wait3A_29 : memref<16xf32, #tpu.memory_space<hbm>>)
      tpu.yield
    }) : () -> ()
    return
  }
}

module attributes {stable_mosaic.version = 14 : i64} {
  func.func @_tc_body(%arg0: i32, %arg1: memref<1024x313xf32, #tpu.memory_space<vmem>>, %arg2: memref<1024x313xf32, #tpu.memory_space<vmem>>, %arg3: memref<1x1x1xf32, #tpu.memory_space<vmem>>) attributes {dimension_semantics = [#tpu.dimension_semantics<arbitrary>], iteration_bounds = array<i64: 28>, scalar_prefetch = 0 : i64, scratch_operands = 0 : i64, tpu.core_type = #tpu.core_type<tc>, window_params = [{transform_indices = @transform_0, window_bounds = array<i64: 1024, 313>}, {transform_indices = @transform_1, window_bounds = array<i64: 1024, 313>}, {transform_indices = @transform_2, window_bounds = array<i64: 1, 1, 1>}]} {
    %get3A = arith.constant 0 : index
    %get3A_0 = arith.constant 0 : index
    %get3A_1 = vector.load %arg2[%get3A, %get3A_0] : memref<1024x313xf32, #tpu.memory_space<vmem>>, vector<1024x313xf32>
    %get3A_2 = arith.constant 0 : index
    %get3A_3 = arith.constant 0 : index
    %get3A_4 = vector.load %arg1[%get3A_2, %get3A_3] : memref<1024x313xf32, #tpu.memory_space<vmem>>, vector<1024x313xf32>
    %reduce_max3A = arith.constant dense<0xFF800000> : vector<1024xf32>
    %reduce_max3A_5 = vector.multi_reduction <maximumf>, %get3A_1, %reduce_max3A [1] : vector<1024x313xf32> to vector<1024xf32>
    %broadcast_in_dim3A = vector.shape_cast %reduce_max3A_5 : vector<1024xf32> to vector<1024x1xf32>
    %eq3A = vector.broadcast %broadcast_in_dim3A : vector<1024x1xf32> to vector<1024x313xf32>
    %eq3A_6 = arith.cmpf oeq, %get3A_1, %eq3A : vector<1024x313xf32>
    %jit3A = arith.constant -3.400000e+38 : f32
    %broadcast_in_dim3A_7 = vector.broadcast %jit3A : f32 to vector<1024x313xf32>
    %select_n3A = arith.select %eq3A_6, %get3A_4, %broadcast_in_dim3A_7 : vector<1024x313xi1>, vector<1024x313xf32>
    %reduce_max3A_8 = arith.constant dense<0xFF800000> : vector<1024xf32>
    %reduce_max3A_9 = vector.multi_reduction <maximumf>, %select_n3A, %reduce_max3A_8 [1] : vector<1024x313xf32> to vector<1024xf32>
    %reduce_max3A_10 = arith.constant dense<0xFF800000> : vector<1024xf32>
    %reduce_max3A_11 = vector.multi_reduction <maximumf>, %get3A_4, %reduce_max3A_10 [1] : vector<1024x313xf32> to vector<1024xf32>
    %div3A = arith.divf %reduce_max3A_9, %reduce_max3A_11 : vector<1024xf32>
    %sub3A = arith.constant 1.000000e+00 : f32
    %sub3A_12 = vector.broadcast %sub3A : f32 to vector<1024xf32>
    %sub3A_13 = arith.subf %sub3A_12, %div3A : vector<1024xf32>
    %reduce_sum3A = vector.shape_cast %sub3A_13 : vector<1024xf32> to vector<1x1024xf32>
    %reduce_sum3A_14 = arith.constant dense<0.000000e+00> : vector<1xf32>
    %reduce_sum3A_15 = vector.multi_reduction <add>, %reduce_sum3A, %reduce_sum3A_14 [1] : vector<1x1024xf32> to vector<1xf32>
    %reduce_sum3A_16 = vector.shape_cast %reduce_sum3A_15 : vector<1xf32> to vector<1x1xf32>
    %reduce_sum3A_17 = vector.extract %reduce_sum3A_16[0, 0] : f32 from vector<1x1xf32>
    %reshape3A = vector.broadcast %reduce_sum3A_17 : f32 to vector<1x1x1xf32>
    %swap3A = arith.constant 0 : index
    %swap3A_18 = arith.constant 0 : index
    %swap3A_19 = arith.constant 0 : index
    %swap3A_20 = vector.load %arg3[%swap3A, %swap3A_18, %swap3A_19] : memref<1x1x1xf32, #tpu.memory_space<vmem>>, vector<1x1x1xf32>
    tpu.vector_store %arg3[%swap3A, %swap3A_18, %swap3A_19], %reshape3A {strides = array<i32>} : memref<1x1x1xf32, #tpu.memory_space<vmem>>, vector<1x1x1xf32>,
    return
  }
  func.func @transform_0(%arg0: i32) -> (i32, i32) {
    %add3A = arith.constant 36 : i32
    %add3A_0 = arith.addi %arg0, %add3A : i32
    %c0_i32 = arith.constant 0 : i32
    %c0_i32_1 = arith.constant 0 : i32
    return %add3A_0, %c0_i32 : i32, i32
  }
  func.func @transform_1(%arg0: i32) -> (i32, i32) {
    %add3A = arith.constant 36 : i32
    %add3A_0 = arith.addi %arg0, %add3A : i32
    %c0_i32 = arith.constant 0 : i32
    %c0_i32_1 = arith.constant 0 : i32
    return %add3A_0, %c0_i32 : i32, i32
  }
  func.func @transform_2(%arg0: i32) -> (i32, i32, i32) {
    %c0_i32 = arith.constant 0 : i32
    %c0_i32_0 = arith.constant 0 : i32
    %c0_i32_1 = arith.constant 0 : i32
    return %arg0, %c0_i32, %c0_i32_0 : i32, i32, i32
  }
}

</mosaic_0001>

<sc_bundles>
// kernel: kernel.4.cloned.1.call-start
scs
__scs_entry_jumppad:
0x0: {  	(pc) =	sbr.rel $0x88, $3  }
0x1: {  	(tag) =	ssettag $0x0;
	lr =	simm.s32 $0x1  }
0x2: {  	[smem:$0x3F9F] =	sst lr;
	_ =	strace $0xD0000000  }
0x3: {  	_ = 	snop  }
0x4: {  	_ = 	snop  }
0x5: {  	_ = 	snop  }
0x6: {  	_ = 	snop  }
0x7: {  	_ = 	snop  }
__scs_overlays_trampoline_lowered:
0x8: {  	[smem:$0x3FAE] =	sst s0  }
0x9: {  	[smem:$0x3FAF] =	sst s1  }
0xa: {  	[smem:$0x3FB0] =	sst s2  }
0xb: {  	[smem:$0x3FB1] =	sst s3  }
0xc: {  	[smem:$0x3FB2] =	sst s4  }
0xd: {  	[smem:$0x3FB3] =	sst s5  }
0xe: {  	[smem:$0x3FB4] =	sst s6  }
0xf: {  	[smem:$0x3FB5] =	sst s7  }
0x10: {  	[smem:$0x3FB6] =	sst s8  }
0x11: {  	[smem:$0x3FB7] =	sst s9;
	s0 =	simm.s32 @!p0 $0x0  }
0x12: {  	s1 =	sld [smem:$0x3F9D];
	s0 =	simm.s32 @p0 $0x1  }
0x13: {  	[smem:$0x3FB8] =	sst s0;
	s0 =	simm.s32 @!p1 $0x0  }
0x14: {  	s2 =	sld [smem:$0x3F9C];
	s0 =	simm.s32 @p1 $0x1  }
0x15: {  	[smem:$0x3FB9] =	sst s0;
	s0 =	simm.s32 @!p2 $0x0  }
0x16: {  	s3 =	sld [smem:$0x3FDB];
	s0 =	simm.s32 @p2 $0x1  }
0x17: {  	s4 =	simm.s32 $0x1BF5;
	[smem:$0x3FBB] =	sst s0  }
0x18: {  	s0 =	sld [smem:$0x3F9E];
	_ =	swait.ge [sflag:s4], $0x0  }
0x19: {  	s7 =	sld [smem:$0x3F9F]  }
0x1a: {  	s8 =	sadd.s32 $0xFFFFE003, lr  }
0x1b: {  	s9 =	sadd.s32 $0xFFFFFEF7, lr;
	s5 =	simm.s32 $0xFFFFFFFF;
	p2 =	slt.u32 s8, $0xFFFFF086  }
0x1c: {  	p1 =	slt.u32 s9, $0xF7A;
	s5 =	simm.s32 @!p2 $0x0  }
0x1d: {  	s5 =	simm.s32 @p1 $0x1;
	p0 =	seq.s32 s7, s2  }
0x1e: {  	s7 =	smul.u32 @!p0 $0xF7A, s2;
	p2 =	seq.s32 @!p0 s5, $0x0  }
0x1f: {  	s9 =	smul.u32 $0xF7A, s1;
	s8 =	simm.s32 @!p0 $0x1BF5;
	p2 =	por !p2, p0  }
0x20: {  	[sflag:s8] =	ssyncset.s32 @!p0 $0xFFFFF086;
	s6 =	sadd.s32 @!p0 s3, s7;
	s7 =	simm.s32 @!p0 $0x108  }
0x21: {  	s3 =	sadd.s32 s3, s9;
	s6 =	sadd.s32 @!p0 $0x88, s6;
	s7 =	simm.s32 @p2 $0x1082  }
0x22: {  	[simem:s7], [sflag:s8] =	dma.local @!p0 [hbm:s6], $0xF7A  }
0x23: {  	s9 =	sor.u32 $0xD0000000, s2;
	s6 =	simm.s32 $0x108;
	_ =	swait.ge @!p0 [sflag:s8], $0x0  }
0x24: {  	s3 =	sadd.s32 $0x88, s3;
	s6 =	simm.s32 @!p1 $0x1082;
	[sflag:s4] =	ssyncset.s32 $0xFFFFF086  }
0x25: {  	[simem:s6], [sflag:s4] =	dma.local [hbm:s3], $0xF7A  }
0x26: {  	[smem:$0x3F9F] =	sst s1;
	(tag) =	ssettag s2;
	_ =	strace s9  }
0x27: {  	s1 =	sld [smem:$0x3FAF]  }
0x28: {  	s2 =	sld [smem:$0x3FB0]  }
0x29: {  	s4 =	sld [smem:$0x3FB2]  }
0x2a: {  	p0 =	seq.s32 s5, $0x0;
	s5 =	sld [smem:$0x3FB3]  }
0x2b: {  	s6 =	sld [smem:$0x3FB4]  }
0x2c: {  	s7 =	sld [smem:$0x3FB5]  }
0x2d: {  	s3 =	simm.s32 $0x108;
	s8 =	sld [smem:$0x3FB6]  }
0x2e: {  	s3 =	simm.s32 @!p0 $0x1082;
	s9 =	sld [smem:$0x3FB7]  }
0x2f: {  	lr =	sadd.s32 s0, s3;
	s0 =	sld [smem:$0x3FAE]  }
0x30: {  	s3 =	sld [smem:$0x3FB1]  }
0x31: {  	[smem:$0x3FBA] =	sst s10  }
0x32: {  	s10 =	sld [smem:$0x3FB8];
	_ =	sdelay $0x3  }
0x33: {  	p0 =	seq.s32 s10, $0x1;
	s10 =	sld [smem:$0x3FBA];
	_ =	sdelay $0x3  }
0x34: {  	[smem:$0x3FBA] =	sst s10  }
0x35: {  	s10 =	sld [smem:$0x3FB9];
	_ =	sdelay $0x3  }
0x36: {  	p1 =	seq.s32 s10, $0x1;
	s10 =	sld [smem:$0x3FBA];
	_ =	sdelay $0x3  }
0x37: {  	[smem:$0x3FBA] =	sst s10  }
0x38: {  	s10 =	sld [smem:$0x3FBB]  }
0x39: {  	_ = 	snop;
	(pc) =	sbr.ind lr, $3  }
0x3a: {  	_ = 	snop  }
0x3b: {  	_ = 	snop  }
0x3c: {  	p2 =	seq.s32 s10, $0x1;
	s10 =	sld [smem:$0x3FBA]  }
0x3d: {  	_ =	shalt  }
0x3e: {  	_ =	shalt  }
0x3f: {  	_ =	shalt  }
0x40: {  	_ =	shalt  }
0x41: {  	_ =	shalt  }
0x42: {  	_ =	shalt  }
0x43: {  	_ =	shalt  }
0x44: {  	_ =	shalt  }
0x45: {  	_ =	shalt  }
0x46: {  	_ =	shalt  }
0x47: {  	_ =	shalt  }
0x48: {  	_ =	shalt  }
0x49: {  	_ =	shalt  }
0x4a: {  	_ =	shalt  }
0x4b: {  	_ =	shalt  }
0x4c: {  	_ =	shalt  }
0x4d: {  	_ =	shalt  }
0x4e: {  	_ =	shalt  }
0x4f: {  	_ =	shalt  }
0x50: {  	_ =	shalt  }
0x51: {  	_ =	shalt  }
0x52: {  	_ =	shalt  }
0x53: {  	_ =	shalt  }
0x54: {  	_ =	shalt  }
0x55: {  	_ =	shalt  }
0x56: {  	_ =	shalt  }
0x57: {  	_ =	shalt  }
0x58: {  	_ =	shalt  }
0x59: {  	_ =	shalt  }
0x5a: {  	_ =	shalt  }
0x5b: {  	_ =	shalt  }
0x5c: {  	_ =	shalt  }
0x5d: {  	_ =	shalt  }
0x5e: {  	_ =	shalt  }
0x5f: {  	_ =	shalt  }
0x60: {  	_ =	shalt  }
0x61: {  	_ =	shalt  }
0x62: {  	_ =	shalt  }
0x63: {  	_ =	shalt  }
0x64: {  	_ =	shalt  }
0x65: {  	_ =	shalt  }
0x66: {  	_ =	shalt  }
0x67: {  	_ =	shalt  }
0x68: {  	_ =	shalt  }
0x69: {  	_ =	shalt  }
0x6a: {  	_ =	shalt  }
0x6b: {  	_ =	shalt  }
0x6c: {  	_ =	shalt  }
0x6d: {  	_ =	shalt  }
0x6e: {  	_ =	shalt  }
0x6f: {  	_ =	shalt  }
0x70: {  	_ =	shalt  }
0x71: {  	_ =	shalt  }
0x72: {  	_ =	shalt  }
0x73: {  	_ =	shalt  }
0x74: {  	_ =	shalt  }
0x75: {  	_ =	shalt  }
0x76: {  	_ =	shalt  }
0x77: {  	_ =	shalt  }
0x78: {  	_ =	shalt  }
0x79: {  	_ =	shalt  }
0x7a: {  	_ =	shalt  }
0x7b: {  	_ =	shalt  }
0x7c: {  	_ =	shalt  }
0x7d: {  	_ =	shalt  }
0x7e: {  	_ =	shalt  }
0x7f: {  	_ =	shalt  }
0x80: {  	_ =	shalt  }
0x81: {  	_ =	shalt  }
0x82: {  	_ =	shalt  }
0x83: {  	_ =	shalt  }
0x84: {  	_ =	shalt  }
0x85: {  	_ =	shalt  }
0x86: {  	_ =	shalt  }
0x87: {  	_ =	shalt  }
.Lfunc_end0:
.L_simem_size_0:
called_computation_lowered:
.L_overlay_start_0:
0x88: {  	s2 =	sld [smem:$0x3FD9]  }
0x89: {  	s3 =	sld [smem:$0x3FFE];
	_ =	sdelay $0x1  }
0x8a: {  	s1 =	srdreg.scid  }
0x8b: {  	s0 =	sand.u32 $0x1, s1  }
0x8c: {  	s17 =	sshll.u32 s0, $0xA;
	s2 =	sadd.s32 s3, s2  }
0x8d: {  	s2 =	sadd.s32 s2, s17  }
0x8e: {  	[smem:$0x3FC6] =	sst s2  }
0x8f: {  	_ = 	snop  }
0x90: {  	s2 =	sld [smem:$0x3FC9]  }
0x91: {  	s18 =	sld [smem:$0x3FC8];
	(tm) =	ssettm $0x1  }
0x92: {  	s4 =	sld [smem:$0x3FFB];
	_ =	sdelay $0x3  }
0x93: {  	_ =	strace s4  }
0x94: {  	s4 =	sld [smem:$0x3FFC];
	_ =	sdelay $0x3  }
0x95: {  	_ =	strace s4  }
0x96: {  	s4 =	sld [smem:$0x3FFD];
	_ =	sdelay $0x3  }
0x97: {  	_ =	strace s4  }
0x98: {  	_ =	strace $0x8FFFFFFF  }
0x99: {  	s19 =	sld [smem:$0x3FDB];
	_ =	sdelay $0x1  }
0x9a: {  	s5 =	simm.s32 $_scs_section_size  }
0x9b: {  	s6 =	simm.s32 $_size__tile_overlayer_lowered;
	s7 =	simm.s32 $_tile_overlayer_lowered  }
0x9c: {  	s22 =	simm.s32 $0x1BFF;
	s21 =	sshll.u32 s7, $0x1;
	s4 =	sadd.s32 s5, s19  }
0x9d: {  	s8 =	simm.s32 $0x0;
	s20 =	sshll.u32 s6, $0x1;
	s6 =	sadd.s32 s21, s4  }
0x9e: {  	[timem:s8], [sflag:s22] =	dma.local [hbm:s6], s20  }
0x9f: {  	_ =	swait.ge [sflag:s22], s20  }
0xa0: {  	s5 =	ssub.s32 $0x0, s20;
	[sflag:s22] =	ssyncset.done $0x0  }
0xa1: {  	[sflag:s22] =	ssyncadd.s32 s5;
	_ =	sdelay $0x1  }
0xa2: {  	s23 =	simm.s32 $0x1B8B  }
0xa3: {  	_ =	swait.ge [sflag:s23], $0x1  }
0xa4: {  	[sflag:s23] =	ssyncset.done $0x0  }
0xa5: {  	s25 =	simm.s32 $0x1B8E;
	s24 =	sld [smem:$0x3FFE];
	[sflag:s23] =	ssyncadd.s32 $0xFFFFFFFF  }
0xa6: {  	s26 =	simm.s32 $execute0_lowered;
	[smem:$0x3FD2] =	sst s25  }
0xa7: {  	s6 =	sshll.u32 s26, $0x1;
	_ =	strace $0x80000046;
	[dreg:$0x1] =	wrdreg $0xFFFFFFFF  }
0xa8: {  	s28 =	simm.s32 $_size_execute0_lowered;
	s4 =	sadd.s32 s4, s6;
	[dreg:$0x0] =	wrdreg $0x0  }
0xa9: {  	s6 =	sshll.u32 s28, $0x1;
	[dreg:$0x2] =	wrdreg s4  }
0xaa: {  	[dreg:$0x3] =	wrdreg s6  }
0xab: {  	[dreg:$0x4] =	wrdreg $0xC0  }
0xac: {  	_ =	task [dreg:s8], $0x5FFFF  }
0xad: {  	[dreg:$0x1] =	wrdreg $0xFFFFFFFF  }
0xae: {  	[dreg:$0x0] =	wrdreg $0x60  }
0xaf: {  	[dreg:$0x2] =	wrdreg s2  }
0xb0: {  	[dreg:$0x3] =	wrdreg s18  }
0xb1: {  	[dreg:$0x4] =	wrdreg s24  }
0xb2: {  	[dreg:$0x5] =	wrdreg $0x9  }
0xb3: {  	_ =	task.clear_ibuf [dreg:s8], $0x6FFFF;
	_ =	strace $0x90000046  }
0xb4: {  	s29 =	simm.s32 $0x9;
	_ =	strace $0x80000048  }
0xb5: {  	_ =	swait.ge [sflag:s29], $0x1  }
0xb6: {  	[sflag:s29] =	ssyncadd.s32 $0xFFFFFFFF  }
0xb7: {  	_ =	strace $0x90000048  }
0xb8: {  	_ =	sfence  }
0xb9: {  	s30 =	sld [smem:$0x0];
	_ =	sdelay $0x2  }
0xba: {  	s31 =	sshll.u32 s1, $0xD;
	s1 =	sshrl.u32 s1, $0x2  }
0xbb: {  	s3 =	sand.u32 $0x4000, s31;
	s1 =	sadd.s32 s1, s30  }
0xbc: {  	s0 =	sor.u32 s3, s0;
	s1 =	sshll.u32 s1, $0x11  }
0xbd: {  	s0 =	sor.u32 s1, s0  }
0xbe: {  	s0 =	sadd.s32 $0x8F2B, s0  }
0xbf: {  	[sflag:s0] =	ssyncadd.remote.s32 $0x1  }
0xc0: {  	_ =	sfence.sel $0xFFFF  }
0xc1: {  	[dreg:$0x0] =	wrdreg $0xFFFFFFFF;
	(pc) =	sbr.abs _section_cstart, $3  }
0xc2: {  	[dreg:$0x1] =	wrdreg $0xFFFFFFFF  }
0xc3: {  	_ =	task.clear_ibuf [dreg:s8], $0x2FFFF;
	_ =	strace $0x9FFFFFFF  }
0xc4: {  	(tm) =	ssettm $0x7FFFFFFF  }
0xc5: {  	_ =	shalt  }
tec
execute0_lowered:
.L_overlay_start_1:
0x0: {  	(tag) =	ssettag $0x1  }
0x1: {  	v0 =	vimm.s32 $0xF80  }
0x2: {  	vm14 =	vcmask $0x300;
	vm13 =	vcmask $0x704;
	vm12 =	vcmask $0xB08  }
0x3: {  	vm11 =	vcmask $0xF0C;
	vm10 =	vcmask $0x1310;
	vm9 =	vcmask $0x1714  }
0x4: {  	vm8 =	vcmask $0x1B18;
	vm7 =	vcmask $0x1F1C;
	vm6 =	vcmask $0x2320  }
0x5: {  	vm5 =	vcmask $0x2724;
	vm4 =	vcmask $0x2B28;
	vm3 =	vcmask $0x2F2C  }
0x6: {  	vm2 =	vcmask $0x3330;
	vm1 =	vcmask $0x3734;
	vm0 =	vcmask $0x3B38  }
0x7: {  	v1 =	vimm.s32 $0x2780;
	v2 =	vimm.s32 $0x3F80;
	v3 =	vimm.s32 $0x5780  }
0x8: {  	v0 =	vsel vm14, $0x0, v0;
	v1 =	vsel vm14, $0x1800, v1;
	v2 =	vsel vm14, $0x3000, v2  }
0x9: {  	v3 =	vsel vm14, $0x4800, v3;
	v0 =	vsel vm13, $0x80, v0;
	v1 =	vsel vm13, $0x1880, v1  }
0xa: {  	v2 =	vsel vm13, $0x3080, v2;
	v3 =	vsel vm13, $0x4880, v3;
	v0 =	vsel vm12, $0x100, v0  }
0xb: {  	v1 =	vsel vm12, $0x1900, v1;
	v2 =	vsel vm12, $0x3100, v2;
	v3 =	vsel vm12, $0x4900, v3  }
0xc: {  	v0 =	vsel vm11, $0x180, v0;
	v1 =	vsel vm11, $0x1980, v1;
	v2 =	vsel vm11, $0x3180, v2  }
0xd: {  	v3 =	vsel vm11, $0x4980, v3;
	v0 =	vsel vm10, $0x200, v0;
	v1 =	vsel vm10, $0x1A00, v1  }
0xe: {  	v2 =	vsel vm10, $0x3200, v2;
	v3 =	vsel vm10, $0x4A00, v3;
	v0 =	vsel vm9, $0x280, v0  }
0xf: {  	v1 =	vsel vm9, $0x1A80, v1;
	v2 =	vsel vm9, $0x3280, v2;
	v3 =	vsel vm9, $0x4A80, v3  }
0x10: {  	s1 =	srdreg.scid;
	s10 =	rddreg [dreg:$0x2];
	v0 =	vsel vm8, $0x300, v0;
	v1 =	vsel vm8, $0x1B00, v1;
	v2 =	vsel vm8, $0x3300, v2  }
0x11: {  	s0 =	stileid.u32;
	s3 =	rddreg [dreg:$0x3];
	s4 =	simm.s32 $0x0;
	v3 =	vsel vm8, $0x4B00, v3;
	v0 =	vsel vm7, $0x380, v0;
	v1 =	vsel vm7, $0x1B80, v1  }
0x12: {  	s12 =	simm.s32 $0x1;
	s13 =	simm.s32 $0x2;
	s14 =	simm.s32 $0xC000;
	v2 =	vsel vm7, $0x3380, v2;
	v3 =	vsel vm7, $0x4B80, v3;
	v0 =	vsel vm6, $0xC00, v0  }
0x13: {  	s15 =	simm.s32 $0x12000;
	s16 =	simm.s32 $0x3;
	s17 =	simm.s32 $0x4;
	v1 =	vsel vm6, $0x2400, v1;
	v2 =	vsel vm6, $0x3C00, v2;
	v3 =	vsel vm6, $0x5400, v3  }
0x14: {  	s18 =	simm.s32 $0x18000;
	s5 =	sand.u32 $0x1, s1;
	s2 =	sshll.u32 s0, $0x1;
	v0 =	vsel vm5, $0xC80, v0;
	v1 =	vsel vm5, $0x2480, v1;
	v2 =	vsel vm5, $0x3C80, v2  }
0x15: {  	s19 =	simm.s32 $0x5;
	s1 =	rddreg [dreg:$0x0];
	s9 =	sor.u32 s5, s2;
	v3 =	vsel vm5, $0x5480, v3;
	v0 =	vsel vm4, $0xD00, v0;
	v1 =	vsel vm4, $0x2500, v1  }
0x16: {  	s20 =	simm.s32 $0x0;
	[smem:$0x7FF] =	sst s4;
	s8 =	smul.u32 $0x480, s9;
	v2 =	vsel vm4, $0x3D00, v2;
	v3 =	vsel vm4, $0x5500, v3;
	v0 =	vsel vm3, $0xD80, v0  }
0x17: {  	s2 =	rddreg [dreg:$0x1];
	s5 =	ssub.s32 $0x2, s5;
	_ =	strace $0x80000047;
	v1 =	vsel vm3, $0x2580, v1;
	v2 =	vsel vm3, $0x3D80, v2;
	v3 =	vsel vm3, $0x5580, v3  }
0x18: {  	s7 =	sshrl.u32 s5, $0x1;
	s9 =	sshll.u32 s9, $0x4;
	s6 =	sshrl.u32 s8, $0x3;
	v0 =	vsel vm2, $0xE00, v0;
	v1 =	vsel vm2, $0x2600, v1;
	v2 =	vsel vm2, $0x3E00, v2  }
0x19: {  	s11 =	ssub.s32 s5, s7;
	s9 =	sadd.s32 s10, s9;
	s6 =	smul.u32 $0x180, s6;
	v3 =	vsel vm2, $0x5600, v3;
	v0 =	vsel vm1, $0xE80, v0;
	v1 =	vsel vm1, $0x2680, v1  }
0x1a: {  	s7 =	sor.u32 $0x40, s8;
	s8 =	sadd.s32 $0x80, s8;
	s10 =	smax.u32 s11, $0x1;
	v2 =	vsel vm1, $0x3E80, v2;
	v3 =	vsel vm1, $0x5680, v3;
	v0 =	vsel vm0, $0xF00, v0  }
0x1b: {  	s11 =	simm.s32 $0x6000;
	s5 =	sadd.s32 s1, s6;
	s6 =	sadd.s32 s2, s6;
	v1 =	vsel vm0, $0x2700, v1;
	v2 =	vsel vm0, $0x3F00, v2;
	v3 =	vsel vm0, $0x5700, v3  }
.LBB2_1:
0x1c: {  	[tilespmem:s4], [sflag:$0x1] =	stream.linear.gather [hbm4b:s5+s4], $0x6000, $0x38;
	[tilespmem:$0x18080] =	vst v63  }
0x1d: {  	s21 =	simm.s32 $0x0  }
0x1e: {  	v4 =	vimm.f32 $0.0e+00;
	[tilespmem:s11], [sflag:$0x2] =	stream.linear.gather [hbm4b:s6+s4], $0x6000, $0x38;
	[tilespmem:$0x18080] =	vst v63  }
.LBB2_2:
0x1f: {  	s22 =	sshll.u32 s21, $0x7;
	_ =	swait.ge [sflag:s12], $0x6000;
	v5 =	vlaneseq.u32  }
0x20: {  	[sflag:s12] =	ssyncset.done $0x0;
	s23 =	sadd.s32 s22, s7;
	v6 =	vshll.u32 v5, $0x3  }
0x21: {  	v7 =	vand.u32 $0x7F, v5;
	[sflag:s12] =	ssyncadd.s32 $0xFFFFA000;
	s23 =	sshrl.u32 s23, $0x3;
	v6 =	vand.u32 $0xFFFFFC00, v6  }
0x22: {  	_ =	swait.ge [sflag:s13], $0x6000;
	s23 =	smul.u32 $0x180, s23;
	v6 =	vor.u32 v7, v6  }
0x23: {  	[sflag:s13] =	ssyncset.done $0x0;
	v7 =	vadd.s32 v3, v6  }
0x24: {  	v8 =	vadd.s32 $0x1, v5;
	v10 =	vadd.s32 v1, v6;
	[sflag:s13] =	ssyncadd.s32 $0xFFFFA000;
	s24 =	sadd.s32 s1, s23  }
0x25: {  	v5 =	vadd.s32 $0xFFFFFEC8, v5;
	vm0 =	vgt.s32 v8, $0x138;
	[tilespmem:s14], [sflag:$0x3] =	stream.linear.gather [hbm4b:s24+s4], $0x6000, $0x38;
	[tilespmem:$0x18080] =	vst v63  }
0x26: {  	v5 =	vsel vm0, v5, v8;
	v8 =	vadd.s32 v2, v6;
	s23 =	sadd.s32 s2, s23  }
0x27: {  	v9 =	vshll.u32 v5, $0x3;
	v11 =	vadd.s32 v0, v6;
	[tilespmem:s15], [sflag:$0x4] =	stream.linear.gather [hbm4b:s23+s4], $0x6000, $0x38;
	[tilespmem:$0x18080] =	vst v63  }
0x28: {  	v6 =	vand.u32 $0xFFFFFC00, v9;
	v9 =	vand.u32 $0x7F, v5;
	v12 =	vld.idx.msk [tilespmem:v7+s4+$0x0], $0xffff  }
0x29: {  	v13 =	vadd.s32 $0x1, v5;
	v14 =	vor.u32 v9, v6;
	v6 =	vld.idx.msk [tilespmem:v10+s4+$0x0], $0xffff  }
0x2a: {  	vm0 =	vgt.s32 v13, $0x138;
	v5 =	vadd.s32 $0xFFFFFEC8, v5;
	v15 =	vadd.s32 v3, v14;
	v7 =	vld.idx.msk [tilespmem:v7+s11+$0x0], $0xffff  }
0x2b: {  	v31 =	vimm.f32 $-3.399999950e+38;
	v30 =	vimm.f32 $-3.399999950e+38;
	v5 =	vsel vm0, v5, v13;
	v16 =	vld.idx.msk [tilespmem:v8+s11+$0x0], $0xffff  }
0x2c: {  	v13 =	vadd.s32 v0, v14;
	v9 =	vshll.u32 v5, $0x3;
	v18 =	vand.u32 $0x7F, v5;
	v17 =	vld.idx.msk [tilespmem:v11+s11+$0x0], $0xffff  }
0x2d: {  	v20 =	vadd.s32 $0x1, v5;
	v5 =	vadd.s32 $0xFFFFFEC8, v5;
	v9 =	vand.u32 $0xFFFFFC00, v9;
	v8 =	vld.idx.msk [tilespmem:v8+s4+$0x0], $0xffff  }
0x2e: {  	v26 =	vadd.s32 v1, v14;
	vm0 =	vgt.s32 v20, $0x138;
	v18 =	vor.u32 v18, v9;
	v29 =	vld.idx.msk [tilespmem:v10+s11+$0x0], $0xffff  }
0x2f: {  	v32 =	vadd.s32 v2, v14;
	v24 =	vsel vm0, v5, v20;
	v21 =	vadd.s32 v0, v18;
	v27 =	vld.idx.msk [tilespmem:v15+s11+$0x0], $0xffff  }
0x30: {  	v9 =	vadd.s32 v2, v18;
	v25 =	vadd.s32 v1, v18;
	v10 =	vshll.u32 v24, $0x3;
	v23 =	vld.idx.msk [tilespmem:v15+s4+$0x0], $0xffff  }
0x31: {  	v14 =	vadd.s32 v3, v18;
	v10 =	vand.u32 $0xFFFFFC00, v10;
	v15 =	vld.idx.msk [tilespmem:v11+s4+$0x0], $0xffff;
	v11 =	vadd.s32 $0x1, v24  }
0x32: {  	v22 =	vld.idx.msk [tilespmem:v13+s11+$0x0], $0xffff;
	vm4 =	vgt.s32 v11, $0x138;
	v19 =	vmax.f32 v31, v12;
	vm2 =	vgt.f32 v7, v31  }
0x33: {  	v13 =	vld.idx.msk [tilespmem:v13+s4+$0x0], $0xffff;
	vm0 =	vgt.f32 v17, v31;
	vm1 =	vgt.f32 v16, v31;
	v35 =	vsel vm2, v7, v31  }
0x34: {  	v36 =	vld.idx.msk [tilespmem:v26+s11+$0x0], $0xffff;
	v33 =	vsel vm0, v17, v31;
	v28 =	vsel vm1, v16, v31;
	v7 =	vand.u32 $0x7F, v24  }
0x35: {  	v20 =	vld.idx.msk [tilespmem:v21+s11+$0x0], $0xffff;
	v18 =	vsel vm1, v8, v31;
	v5 =	vsel vm2, v12, v31;
	v12 =	vadd.s32 $0xFFFFFEC8, v24  }
0x36: {  	v16 =	vld.idx.msk [tilespmem:v21+s4+$0x0], $0xffff;
	vm2 =	vgt.f32 v29, v31;
	v21 =	vimm.f32 $-3.399999950e+38;
	v37 =	vor.u32 v7, v10  }
0x37: {  	v17 =	vld.idx.msk [tilespmem:v32+s4+$0x0], $0xffff;
	v34 =	vsel vm4, v12, v11;
	v11 =	vimm.f32 $-3.399999950e+38;
	v12 =	vimm.f32 $-3.399999950e+38  }
0x38: {  	v24 =	vld.idx.msk [tilespmem:v25+s11+$0x0], $0xffff;
	vm3 =	vgt.f32 v27, v35;
	vm1 =	vgt.f32 v22, v33;
	v10 =	vadd.s32 v3, v37  }
0x39: {  	s23 =	simm.s32 $0x0;
	v7 =	vld.idx.msk [tilespmem:v14+s4+$0x0], $0xffff;
	v5 =	vsel vm3, v23, v5;
	v23 =	vmax.f32 v19, v23;
	v19 =	vimm.f32 $-3.399999950e+38  }
.LBB2_3:
0x3a: {  	v38 =	vand.u32 $0x7F, v34;
	s23 =	sadd.s32 $0x4, s23;
	v29 =	vsel vm2, v29, v31;
	v27 =	vsel vm3, v27, v35;
	v31 =	vld.idx.msk [tilespmem:v9+s4+$0x0], $0xffff  }
0x3b: {  	v35 =	vshll.u32 v34, $0x3;
	v21 =	vsel vm0, v15, v21;
	p0 =	slt.u32 s23, $0x134;
	vm0 =	vgt.f32 v36, v29;
	v32 =	vld.idx.msk [tilespmem:v32+s11+$0x0], $0xffff  }
0x3c: {  	v35 =	vand.u32 $0xFFFFFC00, v35;
	v29 =	vsel vm0, v36, v29;
	v25 =	vld.idx.msk [tilespmem:v25+s4+$0x0], $0xffff;
	v36 =	vadd.s32 v0, v37  }
0x3d: {  	v22 =	vsel vm1, v22, v33;
	v21 =	vsel vm1, v13, v21;
	v35 =	vor.u32 v38, v35;
	v26 =	vld.idx.msk [tilespmem:v26+s4+$0x0], $0xffff  }
0x3e: {  	v33 =	vadd.s32 v2, v35;
	v38 =	vadd.s32 v3, v35;
	v39 =	vmax.f32 v23, v7;
	v23 =	vld.idx.msk [tilespmem:v10+s4+$0x0], $0xffff  }
0x3f: {  	v41 =	vadd.s32 v2, v37;
	vm1 =	vgt.f32 v20, v22;
	v40 =	vadd.s32 v1, v35  }
0x40: {  	v19 =	vsel vm2, v6, v19;
	v37 =	vadd.s32 v1, v37;
	v9 =	vld.idx.msk [tilespmem:v9+s11+$0x0], $0xffff  }
0x41: {  	v6 =	vmax.f32 v30, v6;
	v21 =	vsel vm1, v16, v21;
	vm2 =	vgt.f32 v32, v28;
	v14 =	vld.idx.msk [tilespmem:v14+s11+$0x0], $0xffff  }
0x42: {  	v20 =	vsel vm1, v20, v22;
	v28 =	vsel vm2, v32, v28;
	v22 =	vld.idx.msk [tilespmem:v36+s11+$0x0], $0xffff  }
0x43: {  	v19 =	vsel vm0, v26, v19;
	v26 =	vmax.f32 v6, v26;
	vm0 =	vgt.f32 v24, v29;
	v42 =	vld.idx.msk [tilespmem:v38+s4+$0x0], $0xffff  }
0x44: {  	v18 =	vsel vm2, v17, v18;
	v24 =	vsel vm0, v24, v29;
	v29 =	vmax.f32 v39, v23;
	v6 =	vld.idx.msk [tilespmem:v40+s4+$0x0], $0xffff  }
0x45: {  	v8 =	vmax.f32 v11, v8;
	v11 =	vsel vm0, v25, v19;
	v26 =	vmax.f32 v26, v25;
	v39 =	vld.idx.msk [tilespmem:v37+s11+$0x0], $0xffff  }
0x46: {  	v12 =	vmax.f32 v12, v15;
	v8 =	vmax.f32 v8, v17;
	vm1 =	vgt.f32 v9, v28;
	v15 =	vld.idx.msk [tilespmem:v37+s4+$0x0], $0xffff  }
0x47: {  	v8 =	vmax.f32 v8, v31;
	v9 =	vsel vm1, v9, v28;
	vm0 =	vgt.f32 v14, v27;
	v17 =	vld.idx.msk [tilespmem:v36+s4+$0x0], $0xffff  }
0x48: {  	v19 =	vadd.s32 $0x1, v34;
	v28 =	vadd.s32 v0, v35;
	vm2 =	vgt.f32 v22, v20;
	v25 =	vld.idx.msk [tilespmem:v41+s11+$0x0], $0xffff  }
0x49: {  	v30 =	vadd.s32 $0xFFFFFEC8, v34;
	vm3 =	vgt.s32 v19, $0x138;
	v18 =	vsel vm1, v31, v18;
	v35 =	vld.idx.msk [tilespmem:v38+s11+$0x0], $0xffff  }
0x4a: {  	v12 =	vmax.f32 v12, v13;
	v34 =	vmax.f32 v29, v42;
	v29 =	vsel vm3, v30, v19;
	v13 =	vld.idx.msk [tilespmem:v41+s4+$0x0], $0xffff  }
0x4b: {  	v19 =	vshll.u32 v29, $0x3;
	v30 =	vadd.s32 $0x1, v29;
	vm1 =	vgt.f32 v39, v24  }
0x4c: {  	v31 =	vand.u32 $0xFFFFFC00, v19;
	vm3 =	vgt.s32 v30, $0x138;
	v19 =	vsel vm1, v15, v11  }
0x4d: {  	v11 =	vand.u32 $0x7F, v29;
	v29 =	vadd.s32 $0xFFFFFEC8, v29;
	v21 =	vsel vm2, v17, v21;
	v10 =	vld.idx.msk [tilespmem:v10+s11+$0x0], $0xffff  }
0x4e: {  	v12 =	vmax.f32 v12, v16;
	v16 =	vsel vm2, v22, v20;
	v30 =	vsel vm3, v29, v30  }
0x4f: {  	v20 =	vor.u32 v11, v31;
	v12 =	vmax.f32 v12, v17;
	vm2 =	vgt.f32 v25, v9  }
0x50: {  	v17 =	vadd.s32 v3, v20;
	v31 =	vadd.s32 $0x1, v30;
	v11 =	vmax.f32 v8, v13  }
0x51: {  	v14 =	vsel vm0, v14, v27;
	v37 =	vadd.s32 v0, v20;
	v8 =	vshll.u32 v30, $0x3;
	v36 =	vld.idx.msk [tilespmem:v33+s11+$0x0], $0xffff  }
0x52: {  	v22 =	vand.u32 $0x7F, v30;
	v41 =	vsel vm2, v25, v9;
	v8 =	vand.u32 $0xFFFFFC00, v8;
	v38 =	vld.idx.msk [tilespmem:v28+s11+$0x0], $0xffff  }
0x53: {  	vm4 =	vgt.s32 v31, $0x138;
	vm3 =	vgt.f32 v10, v14;
	v29 =	vld.idx.msk [tilespmem:v40+s11+$0x0], $0xffff;
	v40 =	vor.u32 v22, v8  }
0x54: {  	v10 =	vsel vm3, v10, v14;
	v8 =	vld.idx.msk [tilespmem:v33+s4+$0x0], $0xffff;
	v43 =	vadd.s32 v0, v40;
	v9 =	vadd.s32 v2, v40  }
0x55: {  	v14 =	vadd.s32 $0xFFFFFEC8, v30;
	v30 =	vmax.f32 v26, v15;
	v25 =	vadd.s32 v1, v40;
	v27 =	vld.idx.msk [tilespmem:v17+s11+$0x0], $0xffff  }
0x56: {  	v5 =	vsel vm0, v7, v5;
	v26 =	vadd.s32 v1, v20;
	v44 =	vsel vm4, v14, v31;
	v22 =	vld.idx.msk [tilespmem:v37+s11+$0x0], $0xffff  }
0x57: {  	v32 =	vadd.s32 v2, v20;
	v14 =	vadd.s32 v3, v40;
	v7 =	vld.idx.msk [tilespmem:v17+s4+$0x0], $0xffff;
	v17 =	vsel vm2, v13, v18  }
0x58: {  	v40 =	vadd.s32 $0x1, v44;
	vm0 =	vgt.f32 v38, v16;
	vm2 =	vgt.f32 v36, v41;
	v15 =	vld.idx.msk [tilespmem:v28+s4+$0x0], $0xffff  }
0x59: {  	vm4 =	vgt.f32 v35, v10;
	v31 =	vsel vm1, v39, v24;
	v45 =	vshll.u32 v44, $0x3;
	v20 =	vld.idx.msk [tilespmem:v43+s11+$0x0], $0xffff  }
0x5a: {  	v5 =	vsel vm3, v23, v5;
	v35 =	vsel vm4, v35, v10;
	v33 =	vsel vm0, v38, v16;
	v13 =	vld.idx.msk [tilespmem:v37+s4+$0x0], $0xffff  }
.Ltmp0:
0x5b: {  	v10 =	vand.u32 $0x7F, v44;
	v28 =	vsel vm2, v36, v41;
	vm3 =	vgt.f32 v27, v35;
	v36 =	vld.idx.msk [tilespmem:v26+s11+$0x0], $0xffff;
	(pc) =	sbr.rel @p0 .LBB2_3-.Ltmp0, $4  }
0x5c: {  	v5 =	vsel vm4, v42, v5;
	v18 =	vsel vm2, v8, v17;
	vm1 =	vgt.f32 v22, v33;
	v17 =	vld.idx.msk [tilespmem:v32+s4+$0x0], $0xffff  }
0x5d: {  	v24 =	vand.u32 $0xFFFFFC00, v45;
	v5 =	vsel vm3, v7, v5;
	v23 =	vmax.f32 v34, v7;
	v16 =	vld.idx.msk [tilespmem:v43+s4+$0x0], $0xffff  }
0x5e: {  	vm4 =	vgt.s32 v40, $0x138;
	v37 =	vor.u32 v10, v24;
	v34 =	vadd.s32 $0xFFFFFEC8, v44;
	v7 =	vld.idx.msk [tilespmem:v14+s4+$0x0], $0xffff  }
0x5f: {  	vm2 =	vgt.f32 v29, v31;
	v10 =	vadd.s32 v3, v37;
	v34 =	vsel vm4, v34, v40;
	v24 =	vld.idx.msk [tilespmem:v25+s11+$0x0], $0xffff  }
0x60: {  	_ =	sdelay $0x3  }
0x61: {  	v38 =	vshll.u32 v34, $0x3;
	v39 =	vld.idx.msk [tilespmem:v9+s4+$0x0], $0xffff  }
0x62: {  	v40 =	vadd.s32 v1, v37;
	v60 =	vand.u32 $0x7F, v34;
	v32 =	vld.idx.msk [tilespmem:v32+s11+$0x0], $0xffff;
	v38 =	vand.u32 $0xFFFFFC00, v38  }
0x63: {  	v41 =	vadd.s32 v0, v37;
	v25 =	vld.idx.msk [tilespmem:v25+s4+$0x0], $0xffff;
	v34 =	vor.u32 v60, v38  }
0x64: {  	v26 =	vld.idx.msk [tilespmem:v26+s4+$0x0], $0xffff;
	v38 =	vadd.s32 v0, v34  }
0x65: {  	v29 =	vsel vm2, v29, v31;
	v31 =	vld.idx.msk [tilespmem:v10+s4+$0x0], $0xffff;
	v42 =	vadd.s32 v1, v34  }
0x66: {  	v61 =	vadd.s32 v2, v37;
	v9 =	vld.idx.msk [tilespmem:v9+s11+$0x0], $0xffff  }
0x67: {  	v27 =	vsel vm3, v27, v35;
	v22 =	vsel vm1, v22, v33;
	v43 =	vadd.s32 v2, v34;
	v62 =	vld.idx.msk [tilespmem:v40+s4+$0x0], $0xffff  }
0x68: {  	v19 =	vsel vm2, v6, v19;
	v6 =	vmax.f32 v30, v6;
	v34 =	vadd.s32 v3, v34;
	v63 =	vld.idx.msk [tilespmem:v41+s4+$0x0], $0xffff  }
0x69: {  	v21 =	vsel vm0, v15, v21;
	v12 =	vmax.f32 v12, v15;
	v8 =	vmax.f32 v11, v8;
	v30 =	vld.idx.msk [tilespmem:v38+s4+$0x0], $0xffff  }
0x6a: {  	vm3 =	vgt.f32 v36, v29;
	v21 =	vsel vm1, v13, v21;
	v12 =	vmax.f32 v12, v13;
	v13 =	vld.idx.msk [tilespmem:v42+s4+$0x0], $0xffff  }
0x6b: {  	vm0 =	vgt.f32 v20, v22;
	v8 =	vmax.f32 v8, v17;
	v29 =	vsel vm3, v36, v29;
	v15 =	vld.idx.msk [tilespmem:v61+s4+$0x0], $0xffff  }
0x6c: {  	v21 =	vsel vm0, v16, v21;
	v12 =	vmax.f32 v12, v16;
	v6 =	vmax.f32 v6, v26;
	v16 =	vld.idx.msk [tilespmem:v43+s4+$0x0], $0xffff  }
0x6d: {  	v20 =	vsel vm0, v20, v22;
	v6 =	vmax.f32 v6, v25;
	v11 =	vmax.f32 v12, v63;
	v12 =	vld.idx.msk [tilespmem:v34+s4+$0x0], $0xffff  }
0x6e: {  	vm0 =	vgt.f32 v24, v29;
	v22 =	vld.idx.msk [tilespmem:v40+s11+$0x0], $0xffff;
	v6 =	vmax.f32 v6, v62;
	v11 =	vmax.f32 v11, v30  }
0x6f: {  	v8 =	vmax.f32 v8, v39;
	v6 =	vmax.f32 v6, v13;
	(erf) = vrcp.f32 v11;
	v11 =	vld.idx.msk [tilespmem:v14+s11+$0x0], $0xffff  }
0x70: {  	v8 =	vmax.f32 v8, v15;
	v14 =	vmax.f32 v23, v7;
	(erf) = vrcp.f32 v6;
	v6 =	vld.idx.msk [tilespmem:v41+s11+$0x0], $0xffff  }
0x71: {  	vm2 =	vgt.f32 v32, v28;
	v8 =	vmax.f32 v8, v16;
	v14 =	vmax.f32 v14, v31  }
0x72: {  	v19 =	vsel vm3, v26, v19;
	v23 =	vld.idx.msk [tilespmem:v61+s11+$0x0], $0xffff;
	v14 =	vmax.f32 v14, v12;
	(erf) = vrcp.f32 v8  }
0x73: {  	v28 =	vsel vm2, v32, v28;
	v8 =	vsel vm2, v17, v18;
	v17 =	vld.idx.msk [tilespmem:v38+s11+$0x0], $0xffff;
	(erf) = vrcp.f32 v14  }
0x74: {  	v10 =	vld.idx.msk [tilespmem:v10+s11+$0x0], $0xffff;
	v18 =	vsel vm0, v25, v19;
	v14 =	vsel vm0, v24, v29;
	vm0 =	vgt.f32 v9, v28  }
0x75: {  	v19 =	vld.idx.msk [tilespmem:v42+s11+$0x0], $0xffff;
	v9 =	vsel vm0, v9, v28;
	vm2 =	vgt.f32 v22, v14;
	vm3 =	vgt.f32 v6, v20  }
0x76: {  	v8 =	vsel vm0, v39, v8;
	vm1 =	vgt.f32 v11, v27;
	v6 =	vsel vm3, v6, v20  }
0x77: {  	v18 =	vsel vm2, v62, v18;
	vm0 =	vgt.f32 v23, v9;
	v21 =	vsel vm3, v63, v21;
	v20 =	vld.idx.msk [tilespmem:v43+s11+$0x0], $0xffff  }
0x78: {  	v14 =	vsel vm2, v22, v14;
	v11 =	vsel vm1, v11, v27;
	vm3 =	vgt.f32 v17, v6  }
0x79: {  	v9 =	vsel vm0, v23, v9;
	v5 =	vsel vm1, v7, v5;
	v17 =	vsel vm3, v30, v21;
	v6 =	vpop (erf)  }
0x7a: {  	vm4 =	vgt.f32 v10, v11;
	vm2 =	vgt.f32 v19, v14;
	v21 =	vpop (erf);
	v6 =	vmul.f32 v6, v17  }
0x7b: {  	v7 =	vsel vm0, v15, v8;
	v10 =	vsel vm4, v10, v11;
	v8 =	vsel vm2, v13, v18;
	v11 =	vpop (erf)  }
0x7c: {  	v13 =	vld.idx.msk [tilespmem:v34+s11+$0x0], $0xffff;
	vm0 =	vgt.f32 v20, v9;
	v8 =	vmul.f32 v21, v8;
	v6 =	vsub.f32 $1.000000000e+00, v6;
	v9 =	vpop (erf)  }
0x7d: {  	p0 =	seq.s32 s21, $0x8;
	v14 =	vlaneseq.u32;
	v7 =	vsel vm0, v16, v7;
	_ =	swait.ge [sflag:s16], $0x6000  }
0x7e: {  	s22 =	sadd.s32 @!p0 s22, s8;
	v4 =	vadd.f32 v6, v4;
	v6 =	vsub.f32 $1.000000000e+00, v8;
	[sflag:s16] =	ssyncset.done $0x0;
	v8 =	vshll.u32 v14, $0x3  }
0x7f: {  	s22 =	sshrl.u32 @!p0 s22, $0x3;
	v7 =	vmul.f32 v11, v7;
	v11 =	vand.u32 $0x7F, v14;
	[sflag:s16] =	ssyncadd.s32 $0xFFFFA000;
	v8 =	vand.u32 $0xFFFFFC00, v8  }
0x80: {  	s22 =	smul.u32 @!p0 $0x180, s22;
	v4 =	vadd.f32 v6, v4;
	_ =	swait.ge [sflag:s17], $0x6000;
	v6 =	vor.u32 v11, v8  }
0x81: {  	v5 =	vsel vm4, v31, v5;
	vm0 =	vgt.f32 v13, v10;
	[sflag:s17] =	ssyncset.done $0x0;
	v8 =	vadd.s32 v3, v6  }
0x82: {  	s24 =	simm.s32 @!p0 $0x0;
	s23 =	sadd.s32 @!p0 s1, s22;
	v10 =	vadd.s32 $0x1, v14;
	v5 =	vsel vm0, v12, v5;
	v11 =	vadd.s32 v1, v6;
	[sflag:s17] =	ssyncadd.s32 $0xFFFFA000  }
0x83: {  	v13 =	vadd.s32 $0xFFFFFEC8, v14;
	v5 =	vmul.f32 v9, v5;
	v7 =	vsub.f32 $1.000000000e+00, v7;
	[tilespmem:s24], [sflag:$0x1] =	stream.linear.gather @!p0 [hbm4b:s23+s24], $0x6000, $0x38;
	[tilespmem:$0x18080] =	vst v63  }
0x84: {  	s22 =	sadd.s32 @!p0 s2, s22;
	vm1 =	vgt.s32 v10, $0x138;
	v9 =	vadd.s32 v2, v6;
	v6 =	vadd.s32 v0, v6;
	s23 =	simm.s32 @!p0 $0x6000  }
0x85: {  	v4 =	vadd.f32 v7, v4;
	v7 =	vsel vm1, v13, v10;
	v13 =	vsub.f32 $1.000000000e+00, v5;
	[tilespmem:s23], [sflag:$0x2] =	stream.linear.gather @!p0 [hbm4b:s22+s24], $0x6000, $0x38;
	[tilespmem:$0x18080] =	vst v63  }
0x86: {  	v10 =	vshll.u32 v7, $0x3;
	v12 =	vand.u32 $0x7F, v7;
	v14 =	vadd.s32 $0x1, v7;
	v15 =	vld.idx.msk [tilespmem:v8+s14+$0x0], $0xffff  }
0x87: {  	v7 =	vadd.s32 $0xFFFFFEC8, v7;
	v10 =	vand.u32 $0xFFFFFC00, v10;
	vm0 =	vgt.s32 v14, $0x138;
	v5 =	vld.idx.msk [tilespmem:v11+s14+$0x0], $0xffff  }
0x88: {  	v4 =	vadd.f32 v13, v4;
	v10 =	vor.u32 v12, v10;
	v7 =	vsel vm0, v7, v14;
	v17 =	vld.idx.msk [tilespmem:v8+s15+$0x0], $0xffff  }
0x89: {  	v12 =	vadd.s32 v3, v10;
	v19 =	vadd.s32 v0, v10;
	v13 =	vld.idx.msk [tilespmem:v9+s15+$0x0], $0xffff;
	v8 =	vshll.u32 v7, $0x3  }
0x8a: {  	v21 =	vld.idx.msk [tilespmem:v6+s15+$0x0], $0xffff;
	v14 =	vand.u32 $0x7F, v7;
	v18 =	vadd.s32 $0x1, v7;
	v8 =	vand.u32 $0xFFFFFC00, v8  }
0x8b: {  	v7 =	vadd.s32 $0xFFFFFEC8, v7;
	v30 =	vld.idx.msk [tilespmem:v11+s15+$0x0], $0xffff;
	vm0 =	vgt.s32 v18, $0x138;
	v14 =	vor.u32 v14, v8  }
0x8c: {  	v25 =	vadd.s32 v1, v10;
	v8 =	vld.idx.msk [tilespmem:v9+s14+$0x0], $0xffff;
	v7 =	vsel vm0, v7, v18;
	v9 =	vadd.s32 v0, v14  }
0x8d: {  	v16 =	vadd.s32 v2, v14;
	v28 =	vadd.s32 v1, v14;
	v18 =	vadd.s32 v3, v14;
	v14 =	vld.idx.msk [tilespmem:v6+s14+$0x0], $0xffff  }
0x8e: {  	v31 =	vimm.f32 $-3.399999950e+38;
	v32 =	vadd.s32 v2, v10;
	v11 =	vadd.s32 $0x1, v7;
	v27 =	vld.idx.msk [tilespmem:v12+s15+$0x0], $0xffff  }
0x8f: {  	v26 =	vshll.u32 v7, $0x3;
	vm4 =	vgt.s32 v11, $0x138;
	v24 =	vmax.f32 v31, v15;
	v22 =	vld.idx.msk [tilespmem:v19+s15+$0x0], $0xffff  }
0x90: {  	v10 =	vld.idx.msk [tilespmem:v12+s14+$0x0], $0xffff;
	vm0 =	vgt.f32 v21, v31;
	vm1 =	vgt.f32 v13, v31;
	vm2 =	vgt.f32 v17, v31  }
0x91: {  	v12 =	vld.idx.msk [tilespmem:v19+s14+$0x0], $0xffff;
	v37 =	vsel vm2, v17, v31;
	v33 =	vsel vm0, v21, v31;
	v23 =	vsel vm1, v13, v31  }
0x92: {  	v36 =	vld.idx.msk [tilespmem:v25+s15+$0x0], $0xffff;
	v13 =	vand.u32 $0x7F, v7;
	v6 =	vsel vm2, v15, v31;
	v15 =	vand.u32 $0xFFFFFC00, v26  }
0x93: {  	vm2 =	vgt.f32 v30, v31;
	v26 =	vimm.f32 $-3.399999950e+38;
	v35 =	vor.u32 v13, v15;
	v20 =	vld.idx.msk [tilespmem:v9+s15+$0x0], $0xffff  }
0x94: {  	v19 =	vsel vm1, v8, v31;
	v15 =	vimm.f32 $-3.399999950e+38;
	v13 =	vld.idx.msk [tilespmem:v9+s14+$0x0], $0xffff;
	v9 =	vadd.s32 v3, v35  }
0x95: {  	v17 =	vld.idx.msk [tilespmem:v32+s14+$0x0], $0xffff;
	vm3 =	vgt.f32 v27, v37;
	vm1 =	vgt.f32 v22, v33;
	v21 =	vmax.f32 v24, v10  }
0x96: {  	v29 =	vld.idx.msk [tilespmem:v28+s15+$0x0], $0xffff;
	v24 =	vimm.f32 $-3.399999950e+38;
	v6 =	vsel vm3, v10, v6;
	v10 =	vadd.s32 $0xFFFFFEC8, v7  }
0x97: {  	s22 =	simm.s32 $0x0;
	v7 =	vld.idx.msk [tilespmem:v18+s14+$0x0], $0xffff;
	v34 =	vsel vm4, v10, v11;
	v11 =	vimm.f32 $-3.399999950e+38;
	v10 =	vimm.f32 $-3.399999950e+38  }
.LBB2_5:
0x98: {  	v38 =	vand.u32 $0x7F, v34;
	s22 =	sadd.s32 $0x4, s22;
	v30 =	vsel vm2, v30, v31;
	v27 =	vsel vm3, v27, v37;
	v31 =	vld.idx.msk [tilespmem:v16+s14+$0x0], $0xffff  }
0x99: {  	v37 =	vshll.u32 v34, $0x3;
	v24 =	vsel vm0, v14, v24;
	p0 =	slt.u32 s22, $0x134;
	vm0 =	vgt.f32 v36, v30;
	v32 =	vld.idx.msk [tilespmem:v32+s15+$0x0], $0xffff  }
0x9a: {  	v37 =	vand.u32 $0xFFFFFC00, v37;
	v30 =	vsel vm0, v36, v30;
	v28 =	vld.idx.msk [tilespmem:v28+s14+$0x0], $0xffff;
	v36 =	vadd.s32 v0, v35  }
0x9b: {  	v22 =	vsel vm1, v22, v33;
	v24 =	vsel vm1, v12, v24;
	v37 =	vor.u32 v38, v37;
	v25 =	vld.idx.msk [tilespmem:v25+s14+$0x0], $0xffff  }
0x9c: {  	v33 =	vadd.s32 v2, v37;
	v38 =	vadd.s32 v3, v37;
	v39 =	vmax.f32 v21, v7;
	v21 =	vld.idx.msk [tilespmem:v9+s14+$0x0], $0xffff  }
0x9d: {  	v41 =	vadd.s32 v2, v35;
	vm1 =	vgt.f32 v20, v22;
	v40 =	vadd.s32 v1, v37  }
0x9e: {  	v15 =	vsel vm2, v5, v15;
	v35 =	vadd.s32 v1, v35;
	v16 =	vld.idx.msk [tilespmem:v16+s15+$0x0], $0xffff  }
0x9f: {  	v5 =	vmax.f32 v26, v5;
	v24 =	vsel vm1, v13, v24;
	vm2 =	vgt.f32 v32, v23;
	v18 =	vld.idx.msk [tilespmem:v18+s15+$0x0], $0xffff  }
0xa0: {  	v20 =	vsel vm1, v20, v22;
	v23 =	vsel vm2, v32, v23;
	v22 =	vld.idx.msk [tilespmem:v36+s15+$0x0], $0xffff  }
0xa1: {  	v15 =	vsel vm0, v25, v15;
	v25 =	vmax.f32 v5, v25;
	vm0 =	vgt.f32 v29, v30;
	v42 =	vld.idx.msk [tilespmem:v38+s14+$0x0], $0xffff  }
0xa2: {  	v19 =	vsel vm2, v17, v19;
	v29 =	vsel vm0, v29, v30;
	v26 =	vmax.f32 v39, v21;
	v5 =	vld.idx.msk [tilespmem:v40+s14+$0x0], $0xffff  }
0xa3: {  	v8 =	vmax.f32 v11, v8;
	v11 =	vsel vm0, v28, v15;
	v25 =	vmax.f32 v25, v28;
	v39 =	vld.idx.msk [tilespmem:v35+s15+$0x0], $0xffff  }
0xa4: {  	v10 =	vmax.f32 v10, v14;
	v8 =	vmax.f32 v8, v17;
	vm1 =	vgt.f32 v16, v23;
	v14 =	vld.idx.msk [tilespmem:v35+s14+$0x0], $0xffff  }
0xa5: {  	v8 =	vmax.f32 v8, v31;
	v16 =	vsel vm1, v16, v23;
	vm0 =	vgt.f32 v18, v27;
	v17 =	vld.idx.msk [tilespmem:v36+s14+$0x0], $0xffff  }
0xa6: {  	v15 =	vadd.s32 $0x1, v34;
	v23 =	vadd.s32 v0, v37;
	vm2 =	vgt.f32 v22, v20;
	v28 =	vld.idx.msk [tilespmem:v41+s15+$0x0], $0xffff  }
0xa7: {  	v30 =	vadd.s32 $0xFFFFFEC8, v34;
	vm3 =	vgt.s32 v15, $0x138;
	v19 =	vsel vm1, v31, v19;
	v35 =	vld.idx.msk [tilespmem:v38+s15+$0x0], $0xffff  }
0xa8: {  	v10 =	vmax.f32 v10, v12;
	v34 =	vmax.f32 v26, v42;
	v26 =	vsel vm3, v30, v15;
	v12 =	vld.idx.msk [tilespmem:v41+s14+$0x0], $0xffff  }
0xa9: {  	v15 =	vshll.u32 v26, $0x3;
	v30 =	vadd.s32 $0x1, v26;
	vm1 =	vgt.f32 v39, v29  }
0xaa: {  	v31 =	vand.u32 $0xFFFFFC00, v15;
	vm3 =	vgt.s32 v30, $0x138;
	v15 =	vsel vm1, v14, v11  }
0xab: {  	v11 =	vand.u32 $0x7F, v26;
	v26 =	vadd.s32 $0xFFFFFEC8, v26;
	v24 =	vsel vm2, v17, v24;
	v9 =	vld.idx.msk [tilespmem:v9+s15+$0x0], $0xffff  }
0xac: {  	v10 =	vmax.f32 v10, v13;
	v13 =	vsel vm2, v22, v20;
	v26 =	vsel vm3, v26, v30  }
0xad: {  	v20 =	vor.u32 v11, v31;
	v10 =	vmax.f32 v10, v17;
	vm2 =	vgt.f32 v28, v16  }
0xae: {  	v17 =	vadd.s32 v3, v20;
	v31 =	vadd.s32 $0x1, v26;
	v11 =	vmax.f32 v8, v12  }
0xaf: {  	v18 =	vsel vm0, v18, v27;
	v38 =	vadd.s32 v0, v20;
	v8 =	vshll.u32 v26, $0x3;
	v36 =	vld.idx.msk [tilespmem:v33+s15+$0x0], $0xffff  }
0xb0: {  	v22 =	vand.u32 $0x7F, v26;
	v41 =	vsel vm2, v28, v16;
	v8 =	vand.u32 $0xFFFFFC00, v8;
	v37 =	vld.idx.msk [tilespmem:v23+s15+$0x0], $0xffff  }
0xb1: {  	vm4 =	vgt.s32 v31, $0x138;
	vm3 =	vgt.f32 v9, v18;
	v30 =	vld.idx.msk [tilespmem:v40+s15+$0x0], $0xffff;
	v40 =	vor.u32 v22, v8  }
0xb2: {  	v9 =	vsel vm3, v9, v18;
	v8 =	vld.idx.msk [tilespmem:v33+s14+$0x0], $0xffff;
	v43 =	vadd.s32 v0, v40;
	v16 =	vadd.s32 v2, v40  }
0xb3: {  	v18 =	vadd.s32 $0xFFFFFEC8, v26;
	v26 =	vmax.f32 v25, v14;
	v28 =	vadd.s32 v1, v40;
	v27 =	vld.idx.msk [tilespmem:v17+s15+$0x0], $0xffff  }
0xb4: {  	v6 =	vsel vm0, v7, v6;
	v25 =	vadd.s32 v1, v20;
	v44 =	vsel vm4, v18, v31;
	v22 =	vld.idx.msk [tilespmem:v38+s15+$0x0], $0xffff  }
0xb5: {  	v32 =	vadd.s32 v2, v20;
	v18 =	vadd.s32 v3, v40;
	v7 =	vld.idx.msk [tilespmem:v17+s14+$0x0], $0xffff;
	v17 =	vsel vm2, v12, v19  }
0xb6: {  	v40 =	vadd.s32 $0x1, v44;
	vm0 =	vgt.f32 v37, v13;
	vm2 =	vgt.f32 v36, v41;
	v14 =	vld.idx.msk [tilespmem:v23+s14+$0x0], $0xffff  }
0xb7: {  	vm4 =	vgt.f32 v35, v9;
	v31 =	vsel vm1, v39, v29;
	v45 =	vshll.u32 v44, $0x3;
	v20 =	vld.idx.msk [tilespmem:v43+s15+$0x0], $0xffff  }
0xb8: {  	v6 =	vsel vm3, v21, v6;
	v33 =	vsel vm0, v37, v13;
	v37 =	vsel vm4, v35, v9;
	v12 =	vld.idx.msk [tilespmem:v38+s14+$0x0], $0xffff  }
.Ltmp1:
0xb9: {  	v23 =	vsel vm2, v36, v41;
	v9 =	vand.u32 $0x7F, v44;
	vm3 =	vgt.f32 v27, v37;
	v36 =	vld.idx.msk [tilespmem:v25+s15+$0x0], $0xffff;
	(pc) =	sbr.rel @p0 .LBB2_5-.Ltmp1, $4  }
0xba: {  	v6 =	vsel vm4, v42, v6;
	v19 =	vsel vm2, v8, v17;
	vm1 =	vgt.f32 v22, v33;
	v17 =	vld.idx.msk [tilespmem:v32+s14+$0x0], $0xffff  }
0xbb: {  	v29 =	vand.u32 $0xFFFFFC00, v45;
	v6 =	vsel vm3, v7, v6;
	v21 =	vmax.f32 v34, v7;
	v13 =	vld.idx.msk [tilespmem:v43+s14+$0x0], $0xffff  }
0xbc: {  	vm4 =	vgt.s32 v40, $0x138;
	v35 =	vor.u32 v9, v29;
	v34 =	vadd.s32 $0xFFFFFEC8, v44;
	v7 =	vld.idx.msk [tilespmem:v18+s14+$0x0], $0xffff  }
0xbd: {  	vm2 =	vgt.f32 v30, v31;
	v9 =	vadd.s32 v3, v35;
	v34 =	vsel vm4, v34, v40;
	v29 =	vld.idx.msk [tilespmem:v28+s15+$0x0], $0xffff  }
0xbe: {  	_ =	sdelay $0x3  }
0xbf: {  	v38 =	vld.idx.msk [tilespmem:v16+s14+$0x0], $0xffff  }
0xc0: {  	v32 =	vld.idx.msk [tilespmem:v32+s15+$0x0], $0xffff;
	v39 =	vshll.u32 v34, $0x3  }
0xc1: {  	v28 =	vld.idx.msk [tilespmem:v28+s14+$0x0], $0xffff;
	v40 =	vadd.s32 v0, v35;
	v58 =	vand.u32 $0x7F, v34;
	v39 =	vand.u32 $0xFFFFFC00, v39  }
0xc2: {  	v25 =	vld.idx.msk [tilespmem:v25+s14+$0x0], $0xffff;
	v34 =	vor.u32 v58, v39  }
0xc3: {  	v30 =	vsel vm2, v30, v31;
	v31 =	vld.idx.msk [tilespmem:v9+s14+$0x0], $0xffff;
	v39 =	vadd.s32 v0, v34  }
0xc4: {  	v27 =	vsel vm3, v27, v37;
	v24 =	vsel vm0, v14, v24;
	v59 =	vld.idx.msk [tilespmem:v16+s15+$0x0], $0xffff;
	v60 =	vadd.s32 v1, v35  }
0xc5: {  	v22 =	vsel vm1, v22, v33;
	v18 =	vld.idx.msk [tilespmem:v18+s15+$0x0], $0xffff;
	v62 =	vadd.s32 v2, v35;
	v61 =	vadd.s32 v1, v34  }
0xc6: {  	v15 =	vsel vm2, v5, v15;
	v5 =	vmax.f32 v26, v5;
	v10 =	vmax.f32 v10, v14;
	v63 =	vld.idx.msk [tilespmem:v40+s15+$0x0], $0xffff  }
0xc7: {  	v8 =	vmax.f32 v11, v8;
	v41 =	vadd.s32 v2, v34;
	vm5 =	vgt.f32 v32, v23;
	v40 =	vld.idx.msk [tilespmem:v40+s14+$0x0], $0xffff  }
0xc8: {  	vm14 =	vgt.f32 v36, v30;
	vm15 =	vgt.f32 v20, v22;
	v23 =	vsel vm5, v32, v23;
	v32 =	vld.idx.msk [tilespmem:v39+s14+$0x0], $0xffff  }
0xc9: {  	v24 =	vsel vm1, v12, v24;
	v10 =	vmax.f32 v10, v12;
	v43 =	vadd.s32 v3, v34;
	v42 =	vld.idx.msk [tilespmem:v60+s14+$0x0], $0xffff  }
0xca: {  	v8 =	vmax.f32 v8, v17;
	v30 =	vsel vm14, v36, v30;
	v20 =	vsel vm15, v20, v22;
	v44 =	vld.idx.msk [tilespmem:v61+s14+$0x0], $0xffff  }
0xcb: {  	v45 =	vsel vm15, v13, v24;
	v10 =	vmax.f32 v10, v13;
	v21 =	vmax.f32 v21, v7;
	v46 =	vld.idx.msk [tilespmem:v62+s14+$0x0], $0xffff  }
0xcc: {  	vm6 =	vgt.f32 v29, v30;
	v5 =	vmax.f32 v5, v25;
	v47 =	vld.idx.msk [tilespmem:v41+s14+$0x0], $0xffff;
	v10 =	vmax.f32 v10, v40  }
0xcd: {  	v53 =	vld.idx.msk [tilespmem:v9+s15+$0x0], $0xffff;
	v15 =	vsel vm14, v25, v15;
	v5 =	vmax.f32 v5, v28;
	v10 =	vmax.f32 v10, v32  }
0xce: {  	v50 =	vsel vm6, v29, v30;
	v49 =	vld.idx.msk [tilespmem:v43+s14+$0x0], $0xffff;
	v5 =	vmax.f32 v5, v42;
	(erf) = vrcp.f32 v10  }
0xcf: {  	v48 =	vld.idx.msk [tilespmem:v60+s15+$0x0], $0xffff;
	v8 =	vmax.f32 v8, v38;
	v21 =	vmax.f32 v21, v31;
	v5 =	vmax.f32 v5, v44  }
0xd0: {  	v51 =	vld.idx.msk [tilespmem:v62+s15+$0x0], $0xffff;
	vm8 =	vgt.f32 v18, v27;
	v8 =	vmax.f32 v8, v46;
	(erf) = vrcp.f32 v5  }
0xd1: {  	v19 =	vsel vm5, v17, v19;
	v18 =	vsel vm8, v18, v27;
	v52 =	vld.idx.msk [tilespmem:v39+s15+$0x0], $0xffff;
	v8 =	vmax.f32 v8, v47  }
0xd2: {  	v6 =	vsel vm8, v7, v6;
	vm7 =	vgt.f32 v59, v23;
	(erf) = vrcp.f32 v8  }
0xd3: {  	vm12 =	vgt.f32 v53, v18;
	v16 =	vsel vm7, v59, v23;
	v54 =	vld.idx.msk [tilespmem:v61+s15+$0x0], $0xffff;
	v21 =	vmax.f32 v21, v49  }
0xd4: {  	v19 =	vsel vm7, v38, v19;
	vm9 =	vgt.f32 v63, v20;
	(erf) = vrcp.f32 v21  }
0xd5: {  	v56 =	vld.idx.msk [tilespmem:v41+s15+$0x0], $0xffff;
	v9 =	vsel vm12, v53, v18;
	vm10 =	vgt.f32 v48, v50;
	v55 =	vsel vm9, v63, v20  }
0xd6: {  	v57 =	vld.idx.msk [tilespmem:v43+s15+$0x0], $0xffff;
	vm11 =	vgt.f32 v51, v16;
	v11 =	vsel vm9, v40, v45;
	vm2 =	vgt.f32 v52, v55  }
0xd7: {  	v59 =	vsel vm10, v48, v50;
	v11 =	vsel vm2, v32, v11;
	v5 =	vsel vm6, v28, v15;
	v58 =	vpop (erf)  }
0xd8: {  	vm13 =	vgt.f32 v54, v59;
	v5 =	vsel vm10, v42, v5;
	v60 =	vmul.f32 v58, v11  }
0xd9: {  	v16 =	vsel vm11, v51, v16;
	v7 =	vsel vm11, v46, v19;
	v5 =	vsel vm13, v44, v5;
	v61 =	vpop (erf)  }
0xda: {  	vm14 =	vgt.f32 v56, v16;
	v5 =	vmul.f32 v61, v5;
	v8 =	vsub.f32 $1.000000000e+00, v60  }
0xdb: {  	v6 =	vsel vm12, v31, v6;
	vm15 =	vgt.f32 v57, v9;
	v7 =	vsel vm14, v47, v7;
	v62 =	vpop (erf)  }
0xdc: {  	s21 =	sadd.s32 $0x1, s21;
	v7 =	vmul.f32 v62, v7;
	v5 =	vsub.f32 $1.000000000e+00, v5;
	v4 =	vadd.f32 v8, v4  }
0xdd: {  	p0 =	sne.s32 s21, $0x9;
	v6 =	vsel vm15, v49, v6;
	v63 =	vpop (erf)  }
.Ltmp2:
0xde: {  	v6 =	vmul.f32 v63, v6;
	v4 =	vadd.f32 v5, v4;
	v5 =	vsub.f32 $1.000000000e+00, v7;
	(pc) =	sbr.rel @p0 .LBB2_2-.Ltmp2, $3  }
0xdf: {  	_ = 	snop  }
0xe0: {  	v4 =	vadd.f32 v5, v4;
	v5 =	vsub.f32 $1.000000000e+00, v6;
	_ =	sdelay $0x1  }
0xe1: {  	v4 =	vadd.f32 v5, v4  }
0xe2: {  	s20 =	sadd.s32 $0x1, s20  }
0xe3: {  	p0 =	sne.s32 s20, s10  }
.Ltmp3:
0xe4: {  	[tilespmem:$0x18000] =	vst v4;
	(pc) =	sbr.rel @p0 .LBB2_1-.Ltmp3, $4  }
0xe5: {  	[hbm4b:s9+s4] =	stream.linear.scatter [tilespmem:s18], [sflag:$0x5], $0x80, $0x38;
	[tilespmem:$0x18080] =	vst v63  }
0xe6: {  	_ =	swait.ge [sflag:s19], $0x80  }
0xe7: {  	[sflag:s19] =	ssyncset.done $0x0  }
0xe8: {  	[sflag:s19] =	ssyncadd.s32 $0xFFFFFF80  }
0xe9: {  	_ =	sfence.sel $0x180000  }
0xea: {  	[bflag:$0x0] =	sbarrier.arrive $0xFFFF  }
0xeb: {  	p0 =	sne.s32 s0, $0x0;
	_ =	strace $0x90000047  }
0xec: {  	s0 =	sadd.s32 @!p0 $0x100000, s3;
	[bflag:$0x2] =	sbarrier.arrive $0xFFFF  }
0xed: {  	[sflag:s0] =	ssyncadd.tile.s32 @!p0 $0x1;
	_ =	shalt  }
.Lfunc_end2:
_tile_overlayer_lowered:
.L_overlay_start_2:
0xee: {  	(tag) =	ssettag $0x2  }
0xef: {  	s0 =	rddreg [dreg:$0x0];
	s2 =	stileid.u32  }
0xf0: {  	s1 =	rddreg [dreg:$0x1];
	p0 =	sne.s32 s2, $0x0  }
0xf1: {  	s3 =	rddreg [dreg:$0x2];
	[bflag:$0x3] =	sbarrier.arrive $0xFFFF;
	s2 =	simm.s32 @!p0 $0x1C05  }
0xf2: {  	[timem:s3], [sflag:s2] =	dma.local @!p0 [hbm:s0], s1  }
0xf3: {  	s0 =	simm.s32 @!p0 $0x5  }
0xf4: {  	_ =	swait.ge @!p0 [sflag:s0], s1  }
0xf5: {  	s1 =	ssub.s32 @!p0 $0x0, s1;
	[sflag:s0] =	ssyncset.done @!p0 $0x0  }
0xf6: {  	[sflag:s0] =	ssyncadd.s32 @!p0 s1  }
0xf7: {  	[bflag:$0x3] =	sbarrier.arrive $0xFFFF  }
0xf8: {  	_ =	shalt  }

</sc_bundles>
